<compile_context>
chip_gen: v7x
topology: tpu7x:2x2x1
jax: 0.10.2.dev20260603
libtpu: 0.0.44.dev20260713+nightly
codegen_flags: <defaults>
</compile_context>

<pallas_src>
import jax
import jax.numpy as jnp
import numpy as np
from jax import lax
from jax.experimental import pallas as pl

DIM_IN = 256
SPATIAL_SCALE = 0.0625
STRIDE = 1.0 / SPATIAL_SCALE
SIZES = (32.0, 64.0, 128.0, 256.0, 512.0)
RATIOS = (0.5, 1.0, 2.0)
NUM_ANCHORS = len(SIZES) * len(RATIOS)
PRE_NMS = 5000
POST_NMS = 1000
NMS_THRESH = 0.7
MIN_SIZE = 16.0
BBOX_CLIP = float(np.log(1000.0 / 16.0))
H_FEAT = 64
W_FEAT = 64
NPIX = H_FEAT * W_FEAT

NMS_PAD = 5120
NMS_BLK = 512
NMS_BLOCKS = NMS_PAD // NMS_BLK


def _gen_anchors():
    def whctrs(a):
        w = a[2] - a[0] + 1.0
        h = a[3] - a[1] + 1.0
        return w, h, a[0] + 0.5 * (w - 1.0), a[1] + 0.5 * (h - 1.0)

    def mk(ws, hs, xc, yc):
        ws = ws[:, None]
        hs = hs[:, None]
        return np.hstack([xc - 0.5 * (ws - 1.0), yc - 0.5 * (hs - 1.0),
                          xc + 0.5 * (ws - 1.0), yc + 0.5 * (hs - 1.0)])

    base = np.array([1.0, 1.0, STRIDE, STRIDE]) - 1.0
    ratios = np.array(RATIOS)
    scales = np.array(SIZES) / STRIDE
    w, h, xc, yc = whctrs(base)
    size = w * h
    ws = np.round(np.sqrt(size / ratios))
    hs = np.round(ws * ratios)
    ra = mk(ws, hs, xc, yc)
    out = []
    for i in range(ra.shape[0]):
        w, h, xc, yc = whctrs(ra[i])
        out.append(mk(w * scales, h * scales, xc, yc))
    return np.vstack(out).astype(np.float32)


_ANCHORS = _gen_anchors()


def _prop_kernel(logits_ref, dk_ref, anc_ref, iminfo_ref,
                 score_ref, prop_ref):
    f32 = jnp.float32
    deltas = [dk_ref[k] for k in range(4)]
    scores = jax.nn.sigmoid(logits_ref[...])

    col = lax.broadcasted_iota(jnp.int32, (NUM_ANCHORS, NPIX), 1)
    sx = (col % W_FEAT).astype(f32) * STRIDE
    sy = (col // W_FEAT).astype(f32) * STRIDE
    ax1 = anc_ref[:, 0:1] + sx
    ay1 = anc_ref[:, 1:2] + sy
    ax2 = anc_ref[:, 2:3] + sx
    ay2 = anc_ref[:, 3:4] + sy

    widths = ax2 - ax1 + 1.0
    heights = ay2 - ay1 + 1.0
    ctr_x = ax1 + 0.5 * widths
    ctr_y = ay1 + 0.5 * heights
    dx, dy = deltas[0], deltas[1]
    dw_ = jnp.minimum(deltas[2], BBOX_CLIP)
    dh_ = jnp.minimum(deltas[3], BBOX_CLIP)
    pcx = dx * widths + ctr_x
    pcy = dy * heights + ctr_y
    pw = jnp.exp(dw_) * widths
    ph = jnp.exp(dh_) * heights
    px1 = pcx - 0.5 * pw
    py1 = pcy - 0.5 * ph
    px2 = pcx + 0.5 * pw - 1.0
    py2 = pcy + 0.5 * ph - 1.0

    h_im = iminfo_ref[0, 0]
    w_im = iminfo_ref[0, 1]
    sc = iminfo_ref[0, 2]
    px1 = jnp.clip(px1, 0.0, w_im - 1.0)
    py1 = jnp.clip(py1, 0.0, h_im - 1.0)
    px2 = jnp.clip(px2, 0.0, w_im - 1.0)
    py2 = jnp.clip(py2, 0.0, h_im - 1.0)
    prop_ref[0] = px1
    prop_ref[1] = py1
    prop_ref[2] = px2
    prop_ref[3] = py2

    ws = px2 - px1 + 1.0
    hs = py2 - py1 + 1.0
    min_sz = MIN_SIZE * sc
    valid = (ws >= min_sz) & (hs >= min_sz)
    score_ref[...] = jnp.where(valid, scores, -1e8)


def _nms_kernel(x1_ref, y1_ref, x2_ref, y2_ref, keep_ref):
    f32 = jnp.float32
    lane_i = lax.broadcasted_iota(jnp.int32, (NMS_BLK, NMS_BLK), 1)
    sub_i = lax.broadcasted_iota(jnp.int32, (NMS_BLK, NMS_BLK), 0)
    strict_upper = lane_i > sub_i
    eye = jnp.where(lane_i == sub_i, 1.0, 0.0).astype(f32)

    keep_ref[...] = jnp.ones((NMS_BLOCKS, NMS_BLK), f32)

    def col_of(r):
        return jnp.sum(eye * r, axis=1, keepdims=True)

    def rows(b):
        return (x1_ref[pl.ds(b, 1), :], y1_ref[pl.ds(b, 1), :],
                x2_ref[pl.ds(b, 1), :], y2_ref[pl.ds(b, 1), :])

    def block_body(b, carry):
        x1r, y1r, x2r, y2r = rows(b)
        arear = (x2r - x1r + 1.0) * (y2r - y1r + 1.0)
        x1c, y1c = col_of(x1r), col_of(y1r)
        x2c, y2c = col_of(x2r), col_of(y2r)
        areac = col_of(arear)

        def iou_vs(x1o, y1o, x2o, y2o, areao):
            xx1 = jnp.maximum(x1c, x1o)
            yy1 = jnp.maximum(y1c, y1o)
            xx2 = jnp.minimum(x2c, x2o)
            yy2 = jnp.minimum(y2c, y2o)
            w = jnp.maximum(0.0, xx2 - xx1 + 1.0)
            h = jnp.maximum(0.0, yy2 - yy1 + 1.0)
            inter = w * h
            return inter / (areac + areao - inter)

        m_intra = jnp.where((iou_vs(x1r, y1r, x2r, y2r, arear) > NMS_THRESH)
                            & strict_upper, 1.0, 0.0).astype(f32)
        a0 = keep_ref[pl.ds(b, 1), :]

        def fp_cond(c):
            return c[1]

        def fp_body(c):
            k, _ = c
            kc = col_of(k)
            sup = jnp.max(m_intra * kc, axis=0, keepdims=True)
            knew = a0 * (1.0 - sup)
            return knew, jnp.any(knew != k)

        k, _ = lax.while_loop(fp_cond, fp_body, (a0, jnp.bool_(True)))
        keep_ref[pl.ds(b, 1), :] = k
        kc = col_of(k)

        def inner(b2, carry2):
            x1r2, y1r2, x2r2, y2r2 = rows(b2)
            arear2 = (x2r2 - x1r2 + 1.0) * (y2r2 - y1r2 + 1.0)
            iou2 = iou_vs(x1r2, y1r2, x2r2, y2r2, arear2)
            sup = jnp.max(jnp.where(iou2 > NMS_THRESH, kc, 0.0),
                          axis=0, keepdims=True)
            keep_ref[pl.ds(b2, 1), :] = keep_ref[pl.ds(b2, 1), :] * (1.0 - sup)
            return carry2

        return lax.fori_loop(b + 1, NMS_BLOCKS, inner, carry)

    lax.fori_loop(0, NMS_BLOCKS, block_body, jnp.int32(0))


def _run_props(logits_t, dk, anc, iminfo):
    f32 = jnp.float32
    out_shape = (
        jax.ShapeDtypeStruct((NUM_ANCHORS, NPIX), f32),
        jax.ShapeDtypeStruct((4, NUM_ANCHORS, NPIX), f32),
    )
    return pl.pallas_call(_prop_kernel,
                          out_shape=out_shape)(logits_t, dk, anc, iminfo)


def _run_nms(x1, y1, x2, y2):
    return pl.pallas_call(
        _nms_kernel,
        out_shape=jax.ShapeDtypeStruct((NMS_BLOCKS, NMS_BLK),
                                       jnp.float32))(x1, y1, x2, y2)


def kernel(x, im_info, W_conv, b_conv, W_cls, b_cls, W_bbox, b_bbox):
    f32 = jnp.float32
    def conv(v, w, b, pad):
        y = lax.conv_general_dilated(
            v, w, (1, 1), pad, dimension_numbers=("NCHW", "OIHW", "NCHW"))
        return y + b[None, :, None, None]

    rpn_conv = jax.nn.relu(conv(x, W_conv, b_conv, ((1, 1), (1, 1))))
    rpn_cls_logits = conv(rpn_conv, W_cls, b_cls, ((0, 0), (0, 0)))
    rpn_bbox_pred = conv(rpn_conv, W_bbox, b_bbox, ((0, 0), (0, 0)))

    logits_t = rpn_cls_logits[0].reshape(NUM_ANCHORS, NPIX)
    dk = jnp.transpose(
        rpn_bbox_pred[0].reshape(NUM_ANCHORS, 4, NPIX), (1, 0, 2))
    anc = jnp.asarray(_ANCHORS)

    mscores, props = _run_props(logits_t, dk, anc, im_info)

    scores_flat = mscores.T.reshape(-1)
    props_flat = jnp.transpose(props, (2, 1, 0)).reshape(-1, 4)

    top_s, idx = lax.top_k(scores_flat, PRE_NMS)
    top_b = props_flat[idx]

    pad_n = NMS_PAD - PRE_NMS
    bpad = jnp.pad(top_b, ((0, pad_n), (0, 0)))
    x1 = bpad[:, 0].reshape(NMS_BLOCKS, NMS_BLK)
    y1 = bpad[:, 1].reshape(NMS_BLOCKS, NMS_BLK)
    x2 = bpad[:, 2].reshape(NMS_BLOCKS, NMS_BLK)
    y2 = bpad[:, 3].reshape(NMS_BLOCKS, NMS_BLK)

    keepf = _run_nms(x1, y1, x2, y2)
    keep = keepf.reshape(-1)[:PRE_NMS] > 0.0

    masked = jnp.where(keep, top_s, -1e8)
    final_s, fidx = lax.top_k(masked, POST_NMS)
    final_b = top_b[fidx]
    rois = jnp.concatenate(
        [jnp.zeros((POST_NMS, 1), final_b.dtype), final_b], axis=1)
    return rpn_cls_logits, rpn_bbox_pred, rois, final_s

# --- scband reference (transcript-rebuilt; emitter-appended) ---
"""Pipeline reference for scband-single-scale-rpn-outputs-65481071395167 (READ-ONLY COPY).

The authoritative reference and input builder live on the scoring server;
editing this copy changes nothing except your own understanding.
"""

import jax, jax.numpy as jnp
import numpy as np
from jax import lax

DIM_IN = 256
SPATIAL_SCALE = 0.0625
STRIDE = 1.0 / SPATIAL_SCALE
SIZES = (32.0, 64.0, 128.0, 256.0, 512.0)
RATIOS = (0.5, 1.0, 2.0)
NUM_ANCHORS = len(SIZES) * len(RATIOS)
PRE_NMS = 5000
POST_NMS = 1000
NMS_THRESH = 0.7
MIN_SIZE = 16.0
BBOX_CLIP = float(np.log(1000.0 / 16.0))
H_FEAT = 64
W_FEAT = 64


def _whctrs(a):
    w = a[2] - a[0] + 1.0
    h = a[3] - a[1] + 1.0
    return w, h, a[0] + 0.5 * (w - 1.0), a[1] + 0.5 * (h - 1.0)


def _mkanchors(ws, hs, xc, yc):
    ws = ws[:, None]
    hs = hs[:, None]
    return np.hstack([xc - 0.5 * (ws - 1.0), yc - 0.5 * (hs - 1.0), xc + 0.5 * (ws - 1.0), yc + 0.5 * (hs - 1.0)])


def _ratio_enum(anchor, ratios):
    w, h, xc, yc = _whctrs(anchor)
    size = w * h
    ws = np.round(np.sqrt(size / ratios))
    hs = np.round(ws * ratios)
    return _mkanchors(ws, hs, xc, yc)


def _scale_enum(anchor, scales):
    w, h, xc, yc = _whctrs(anchor)
    return _mkanchors(w * scales, h * scales, xc, yc)


def generate_anchors():
    base = np.array([1.0, 1.0, STRIDE, STRIDE]) - 1.0
    ratios = np.array(RATIOS)
    scales = np.array(SIZES) / STRIDE
    ra = _ratio_enum(base, ratios)
    return np.vstack([_scale_enum(ra[i], scales) for i in range(ra.shape[0])]).astype(np.float32)


ANCHORS = generate_anchors()


def _conv(x, W, b, pad):
    y = lax.conv_general_dilated(x, W, (1, 1), pad, dimension_numbers=("NCHW", "OIHW", "NCHW"))
    return y + b[None, :, None, None]


def _bbox_transform(boxes, deltas):
    widths = boxes[:, 2] - boxes[:, 0] + 1.0
    heights = boxes[:, 3] - boxes[:, 1] + 1.0
    ctr_x = boxes[:, 0] + 0.5 * widths
    ctr_y = boxes[:, 1] + 0.5 * heights
    dx, dy = deltas[:, 0], deltas[:, 1]
    dw = jnp.minimum(deltas[:, 2], BBOX_CLIP)
    dh = jnp.minimum(deltas[:, 3], BBOX_CLIP)
    pcx = dx * widths + ctr_x
    pcy = dy * heights + ctr_y
    pw = jnp.exp(dw) * widths
    ph = jnp.exp(dh) * heights
    return jnp.stack([pcx - 0.5 * pw, pcy - 0.5 * ph, pcx + 0.5 * pw - 1.0, pcy + 0.5 * ph - 1.0], axis=1)


def _nms_mask(boxes):
    n = boxes.shape[0]
    x1, y1, x2, y2 = boxes[:, 0], boxes[:, 1], boxes[:, 2], boxes[:, 3]
    areas = (x2 - x1 + 1.0) * (y2 - y1 + 1.0)
    xx1 = jnp.maximum(x1[:, None], x1[None, :])
    yy1 = jnp.maximum(y1[:, None], y1[None, :])
    xx2 = jnp.minimum(x2[:, None], x2[None, :])
    yy2 = jnp.minimum(y2[:, None], y2[None, :])
    w = jnp.maximum(0.0, xx2 - xx1 + 1.0)
    h = jnp.maximum(0.0, yy2 - yy1 + 1.0)
    inter = w * h
    iou = inter / (areas[:, None] + areas[None, :] - inter)
    idxs = jnp.arange(n)

    def body(mask, i):
        sup = (iou[i] > NMS_THRESH) & (idxs > i)
        new_mask = jnp.where(mask[i], mask & (~sup), mask)
        return new_mask, None

    mask, _ = lax.scan(body, jnp.ones((n,), bool), idxs)
    return mask


def _generate_proposals(cls_prob, bbox_pred, im_info):
    A = NUM_ANCHORS
    H, W = cls_prob.shape[2], cls_prob.shape[3]
    shift_x = jnp.arange(W, dtype=jnp.float32) * STRIDE
    shift_y = jnp.arange(H, dtype=jnp.float32) * STRIDE
    sx, sy = jnp.meshgrid(shift_x, shift_y)
    shifts = jnp.stack([sx.ravel(), sy.ravel(), sx.ravel(), sy.ravel()], axis=1)
    all_anchors = (shifts[:, None, :] + jnp.asarray(ANCHORS)[None, :, :]).reshape(-1, 4)
    scores = cls_prob[0].transpose(1, 2, 0).reshape(-1)
    deltas = bbox_pred[0].reshape(A, 4, H, W).transpose(2, 3, 0, 1).reshape(-1, 4)
    props = _bbox_transform(all_anchors, deltas)
    h_im, w_im, sc = im_info[0, 0], im_info[0, 1], im_info[0, 2]
    props = jnp.stack([
        jnp.clip(props[:, 0], 0.0, w_im - 1.0),
        jnp.clip(props[:, 1], 0.0, h_im - 1.0),
        jnp.clip(props[:, 2], 0.0, w_im - 1.0),
        jnp.clip(props[:, 3], 0.0, h_im - 1.0),
    ], axis=1)
    ws = props[:, 2] - props[:, 0] + 1.0
    hs = props[:, 3] - props[:, 1] + 1.0
    min_sz = MIN_SIZE * sc
    valid = lax.stop_gradient((ws >= min_sz) & (hs >= min_sz))
    scores = jnp.where(valid, scores, -1e8)
    top_s, idx = lax.top_k(scores, PRE_NMS)
    top_b = props[idx]
    keep = _nms_mask(lax.stop_gradient(top_b))
    masked = jnp.where(keep, top_s, -1e8)
    final_s, fidx = lax.top_k(masked, POST_NMS)
    final_b = top_b[fidx]
    rois = jnp.concatenate([jnp.zeros((POST_NMS, 1), final_b.dtype), final_b], axis=1)
    return rois, final_s


def _forward(x, im_info, W_conv, b_conv, W_cls, b_cls, W_bbox, b_bbox):
    rpn_conv = jax.nn.relu(_conv(x, W_conv, b_conv, ((1, 1), (1, 1))))
    rpn_cls_logits = _conv(rpn_conv, W_cls, b_cls, ((0, 0), (0, 0)))
    rpn_bbox_pred = _conv(rpn_conv, W_bbox, b_bbox, ((0, 0), (0, 0)))
    rpn_cls_prob = jax.nn.sigmoid(rpn_cls_logits)
    rpn_rois, rpn_rois_prob = _generate_proposals(rpn_cls_prob, rpn_bbox_pred, im_info)
    return rpn_cls_logits, rpn_bbox_pred, rpn_rois, rpn_rois_prob


def setup_inputs(seed: int = 0):
    key = jax.random.key(seed)
    ks = jax.random.split(key, 4)
    x = jax.random.normal(ks[0], (1, DIM_IN, H_FEAT, W_FEAT), jnp.float32)
    im_info = jnp.array([[1024.0, 1024.0, 1.0]], jnp.float32)
    W_conv = 0.01 * jax.random.normal(ks[1], (DIM_IN, DIM_IN, 3, 3), jnp.float32)
    b_conv = jnp.zeros((DIM_IN,), jnp.float32)
    W_cls = 0.01 * jax.random.normal(ks[2], (NUM_ANCHORS, DIM_IN, 1, 1), jnp.float32)
    b_cls = jnp.zeros((NUM_ANCHORS,), jnp.float32)
    W_bbox = 0.01 * jax.random.normal(ks[3], (NUM_ANCHORS * 4, DIM_IN, 1, 1), jnp.float32)
    b_bbox = jnp.zeros((NUM_ANCHORS * 4,), jnp.float32)
    return {"x": x, "im_info": im_info, "W_conv": W_conv, "b_conv": b_conv, "W_cls": W_cls, "b_cls": b_cls, "W_bbox": W_bbox, "b_bbox": b_bbox}


def reference(x, im_info, W_conv, b_conv, W_cls, b_cls, W_bbox, b_bbox):
    return _forward(x, im_info, W_conv, b_conv, W_cls, b_cls, W_bbox, b_bbox)

if __name__ == "__main__":
    import jax
    _d = setup_inputs()
    print(jax.jit(kernel)(*tuple(_d.values())))

</pallas_src>

<mosaic_0001>
module attributes {stable_mosaic.version = 14 : i64} {
  func.func @_prop_kernel(%arg0: memref<15x4096xf32, #tpu.memory_space<vmem>>, %arg1: memref<4x15x4096xf32, #tpu.memory_space<vmem>>, %arg2: memref<15x4xf32, #tpu.memory_space<vmem>>, %arg3: memref<1x3xf32, #tpu.memory_space<vmem>>, %arg4: memref<15x4096xf32, #tpu.memory_space<vmem>>, %arg5: memref<4x15x4096xf32, #tpu.memory_space<vmem>>) attributes {dimension_semantics = [], scalar_prefetch = 0 : i64, scratch_operands = 0 : i64, tpu.core_type = #tpu.core_type<tc>} {
    %get3A = arith.constant 0 : index
    %get3A_0 = arith.constant 0 : index
    %get3A_1 = arith.constant 0 : index
    %get3A_2 = vector.load %arg1[%get3A, %get3A_0, %get3A_1] : memref<4x15x4096xf32, #tpu.memory_space<vmem>>, vector<1x15x4096xf32>
    %get3A_3 = vector.shape_cast %get3A_2 : vector<1x15x4096xf32> to vector<15x4096xf32>
    %get3A_4 = arith.constant 1 : index
    %get3A_5 = arith.constant 0 : index
    %get3A_6 = arith.constant 0 : index
    %get3A_7 = vector.load %arg1[%get3A_4, %get3A_5, %get3A_6] : memref<4x15x4096xf32, #tpu.memory_space<vmem>>, vector<1x15x4096xf32>
    %get3A_8 = vector.shape_cast %get3A_7 : vector<1x15x4096xf32> to vector<15x4096xf32>
    %get3A_9 = arith.constant 2 : index
    %get3A_10 = arith.constant 0 : index
    %get3A_11 = arith.constant 0 : index
    %get3A_12 = vector.load %arg1[%get3A_9, %get3A_10, %get3A_11] : memref<4x15x4096xf32, #tpu.memory_space<vmem>>, vector<1x15x4096xf32>
    %get3A_13 = vector.shape_cast %get3A_12 : vector<1x15x4096xf32> to vector<15x4096xf32>
    %get3A_14 = arith.constant 3 : index
    %get3A_15 = arith.constant 0 : index
    %get3A_16 = arith.constant 0 : index
    %get3A_17 = vector.load %arg1[%get3A_14, %get3A_15, %get3A_16] : memref<4x15x4096xf32, #tpu.memory_space<vmem>>, vector<1x15x4096xf32>
    %get3A_18 = vector.shape_cast %get3A_17 : vector<1x15x4096xf32> to vector<15x4096xf32>
    %get3A_19 = arith.constant 0 : index
    %get3A_20 = arith.constant 0 : index
    %get3A_21 = vector.load %arg0[%get3A_19, %get3A_20] : memref<15x4096xf32, #tpu.memory_space<vmem>>, vector<15x4096xf32>
    %logistic3A = arith.negf %get3A_21 : vector<15x4096xf32>
    %logistic3A_22 = math.exp %logistic3A : vector<15x4096xf32>
    %logistic3A_23 = arith.constant 1.000000e+00 : f32
    %logistic3A_24 = vector.broadcast %logistic3A_23 : f32 to vector<15x4096xf32>
    %logistic3A_25 = arith.addf %logistic3A_24, %logistic3A_22 : vector<15x4096xf32>
    %logistic3A_26 = arith.divf %logistic3A_24, %logistic3A_25 : vector<15x4096xf32>
    %iota3A = tpu.iota {dimensions = array<i32: 1>} : vector<15x4096xi32>
    %jit3A = arith.constant 64 : i32
    %eq3A = arith.constant 0 : i32
    %eq3A_27 = arith.cmpi eq, %jit3A, %eq3A : i32
    %jit3A_28 = arith.constant 1 : i32
    %select_n3A = arith.select %eq3A_27, %jit3A_28, %jit3A : i32
    %rem3A = vector.broadcast %select_n3A : i32 to vector<15x4096xi32>
    %rem3A_29 = arith.remsi %iota3A, %rem3A : vector<15x4096xi32>
    %ne3A = arith.constant 0 : i32
    %ne3A_30 = vector.broadcast %ne3A : i32 to vector<15x4096xi32>
    %ne3A_31 = arith.cmpi ne, %rem3A_29, %ne3A_30 : vector<15x4096xi32>
    %lt3A = arith.constant 0 : i32
    %lt3A_32 = vector.broadcast %lt3A : i32 to vector<15x4096xi32>
    %lt3A_33 = arith.cmpi slt, %rem3A_29, %lt3A_32 : vector<15x4096xi32>
    %lt3A_34 = arith.constant 0 : i32
    %lt3A_35 = arith.cmpi slt, %select_n3A, %lt3A_34 : i32
    %ne3A_36 = vector.broadcast %lt3A_35 : i1 to vector<15x4096xi1>
    %ne3A_37 = vector.broadcast %ne3A_36 : vector<15x4096xi1> to vector<15x4096xi1>
    %ne3A_38 = arith.xori %lt3A_33, %ne3A_37 : vector<15x4096xi1>
    %and3A = arith.andi %ne3A_38, %ne3A_31 : vector<15x4096xi1>
    %add3A = vector.broadcast %select_n3A : i32 to vector<15x4096xi32>
    %add3A_39 = arith.addi %rem3A_29, %add3A : vector<15x4096xi32>
    %select_n3A_40 = arith.select %and3A, %add3A_39, %rem3A_29 : vector<15x4096xi1>, vector<15x4096xi32>
    %convert_element_type3A = arith.sitofp %select_n3A_40 : vector<15x4096xi32> to vector<15x4096xf32>
    %mul3A = arith.constant 1.600000e+01 : f32
    %mul3A_41 = vector.broadcast %mul3A : f32 to vector<15x4096xf32>
    %mul3A_42 = arith.mulf %convert_element_type3A, %mul3A_41 : vector<15x4096xf32>
    %jit3A_43 = arith.constant 64 : i32
    %div3A = vector.broadcast %jit3A_43 : i32 to vector<15x4096xi32>
    %div3A_44 = arith.divsi %iota3A, %div3A : vector<15x4096xi32>
    %sign3A = arith.constant 0 : i32
    %sign3A_45 = vector.broadcast %sign3A : i32 to vector<15x4096xi32>
    %sign3A_46 = arith.cmpi sgt, %iota3A, %sign3A_45 : vector<15x4096xi32>
    %sign3A_47 = arith.extui %sign3A_46 : vector<15x4096xi1> to vector<15x4096xi32>
    %sign3A_48 = arith.constant 0 : i32
    %sign3A_49 = vector.broadcast %sign3A_48 : i32 to vector<15x4096xi32>
    %sign3A_50 = arith.cmpi slt, %iota3A, %sign3A_49 : vector<15x4096xi32>
    %sign3A_51 = arith.extui %sign3A_50 : vector<15x4096xi1> to vector<15x4096xi32>
    %sign3A_52 = arith.subi %sign3A_47, %sign3A_51 : vector<15x4096xi32>
    %sign3A_53 = arith.constant 0 : i32
    %sign3A_54 = arith.cmpi sgt, %jit3A_43, %sign3A_53 : i32
    %sign3A_55 = arith.extui %sign3A_54 : i1 to i32
    %sign3A_56 = arith.constant 0 : i32
    %sign3A_57 = arith.cmpi slt, %jit3A_43, %sign3A_56 : i32
    %sign3A_58 = arith.extui %sign3A_57 : i1 to i32
    %sign3A_59 = arith.subi %sign3A_55, %sign3A_58 : i32
    %ne3A_60 = vector.broadcast %sign3A_59 : i32 to vector<15x4096xi32>
    %ne3A_61 = arith.cmpi ne, %sign3A_52, %ne3A_60 : vector<15x4096xi32>
    %rem3A_62 = vector.broadcast %jit3A_43 : i32 to vector<15x4096xi32>
    %rem3A_63 = arith.remsi %iota3A, %rem3A_62 : vector<15x4096xi32>
    %ne3A_64 = arith.constant 0 : i32
    %ne3A_65 = vector.broadcast %ne3A_64 : i32 to vector<15x4096xi32>
    %ne3A_66 = arith.cmpi ne, %rem3A_63, %ne3A_65 : vector<15x4096xi32>
    %and3A_67 = arith.andi %ne3A_61, %ne3A_66 : vector<15x4096xi1>
    %sub3A = arith.constant 1 : i32
    %sub3A_68 = vector.broadcast %sub3A : i32 to vector<15x4096xi32>
    %sub3A_69 = arith.subi %div3A_44, %sub3A_68 : vector<15x4096xi32>
    %select_n3A_70 = arith.select %and3A_67, %sub3A_69, %div3A_44 : vector<15x4096xi1>, vector<15x4096xi32>
    %convert_element_type3A_71 = arith.sitofp %select_n3A_70 : vector<15x4096xi32> to vector<15x4096xf32>
    %mul3A_72 = arith.constant 1.600000e+01 : f32
    %mul3A_73 = vector.broadcast %mul3A_72 : f32 to vector<15x4096xf32>
    %mul3A_74 = arith.mulf %convert_element_type3A_71, %mul3A_73 : vector<15x4096xf32>
    %get3A_75 = arith.constant 0 : index
    %get3A_76 = arith.constant 0 : index
    %get3A_77 = vector.load %arg2[%get3A_75, %get3A_76] : memref<15x4xf32, #tpu.memory_space<vmem>>, vector<15x1xf32>
    %add3A_78 = vector.broadcast %get3A_77 : vector<15x1xf32> to vector<15x4096xf32>
    %add3A_79 = arith.addf %add3A_78, %mul3A_42 : vector<15x4096xf32>
    %get3A_80 = arith.constant 0 : index
    %get3A_81 = arith.constant 1 : index
    %get3A_82 = vector.load %arg2[%get3A_80, %get3A_81] : memref<15x4xf32, #tpu.memory_space<vmem>>, vector<15x1xf32>
    %add3A_83 = vector.broadcast %get3A_82 : vector<15x1xf32> to vector<15x4096xf32>
    %add3A_84 = arith.addf %add3A_83, %mul3A_74 : vector<15x4096xf32>
    %get3A_85 = arith.constant 0 : index
    %get3A_86 = arith.constant 2 : index
    %get3A_87 = vector.load %arg2[%get3A_85, %get3A_86] : memref<15x4xf32, #tpu.memory_space<vmem>>, vector<15x1xf32>
    %add3A_88 = vector.broadcast %get3A_87 : vector<15x1xf32> to vector<15x4096xf32>
    %add3A_89 = arith.addf %add3A_88, %mul3A_42 : vector<15x4096xf32>
    %get3A_90 = arith.constant 0 : index
    %get3A_91 = arith.constant 3 : index
    %get3A_92 = vector.load %arg2[%get3A_90, %get3A_91] : memref<15x4xf32, #tpu.memory_space<vmem>>, vector<15x1xf32>
    %add3A_93 = vector.broadcast %get3A_92 : vector<15x1xf32> to vector<15x4096xf32>
    %add3A_94 = arith.addf %add3A_93, %mul3A_74 : vector<15x4096xf32>
    %sub3A_95 = arith.subf %add3A_89, %add3A_79 : vector<15x4096xf32>
    %add3A_96 = arith.constant 1.000000e+00 : f32
    %add3A_97 = vector.broadcast %add3A_96 : f32 to vector<15x4096xf32>
    %add3A_98 = arith.addf %sub3A_95, %add3A_97 : vector<15x4096xf32>
    %sub3A_99 = arith.subf %add3A_94, %add3A_84 : vector<15x4096xf32>
    %add3A_100 = arith.constant 1.000000e+00 : f32
    %add3A_101 = vector.broadcast %add3A_100 : f32 to vector<15x4096xf32>
    %add3A_102 = arith.addf %sub3A_99, %add3A_101 : vector<15x4096xf32>
    %mul3A_103 = arith.constant 5.000000e-01 : f32
    %mul3A_104 = vector.broadcast %mul3A_103 : f32 to vector<15x4096xf32>
    %mul3A_105 = arith.mulf %mul3A_104, %add3A_98 : vector<15x4096xf32>
    %add3A_106 = arith.addf %add3A_79, %mul3A_105 : vector<15x4096xf32>
    %mul3A_107 = arith.constant 5.000000e-01 : f32
    %mul3A_108 = vector.broadcast %mul3A_107 : f32 to vector<15x4096xf32>
    %mul3A_109 = arith.mulf %mul3A_108, %add3A_102 : vector<15x4096xf32>
    %add3A_110 = arith.addf %add3A_84, %mul3A_109 : vector<15x4096xf32>
    %min3A = arith.constant 4.13516665 : f32
    %min3A_111 = vector.broadcast %min3A : f32 to vector<15x4096xf32>
    %min3A_112 = arith.minimumf %get3A_13, %min3A_111 : vector<15x4096xf32>
    %min3A_113 = arith.constant 4.13516665 : f32
    %min3A_114 = vector.broadcast %min3A_113 : f32 to vector<15x4096xf32>
    %min3A_115 = arith.minimumf %get3A_18, %min3A_114 : vector<15x4096xf32>
    %mul3A_116 = arith.mulf %get3A_3, %add3A_98 : vector<15x4096xf32>
    %add3A_117 = arith.addf %mul3A_116, %add3A_106 : vector<15x4096xf32>
    %mul3A_118 = arith.mulf %get3A_8, %add3A_102 : vector<15x4096xf32>
    %add3A_119 = arith.addf %mul3A_118, %add3A_110 : vector<15x4096xf32>
    %exp3A = math.exp %min3A_112 : vector<15x4096xf32>
    %mul3A_120 = arith.mulf %exp3A, %add3A_98 : vector<15x4096xf32>
    %exp3A_121 = math.exp %min3A_115 : vector<15x4096xf32>
    %mul3A_122 = arith.mulf %exp3A_121, %add3A_102 : vector<15x4096xf32>
    %mul3A_123 = arith.constant 5.000000e-01 : f32
    %mul3A_124 = vector.broadcast %mul3A_123 : f32 to vector<15x4096xf32>
    %mul3A_125 = arith.mulf %mul3A_124, %mul3A_120 : vector<15x4096xf32>
    %sub3A_126 = arith.subf %add3A_117, %mul3A_125 : vector<15x4096xf32>
    %mul3A_127 = arith.constant 5.000000e-01 : f32
    %mul3A_128 = vector.broadcast %mul3A_127 : f32 to vector<15x4096xf32>
    %mul3A_129 = arith.mulf %mul3A_128, %mul3A_122 : vector<15x4096xf32>
    %sub3A_130 = arith.subf %add3A_119, %mul3A_129 : vector<15x4096xf32>
    %mul3A_131 = arith.constant 5.000000e-01 : f32
    %mul3A_132 = vector.broadcast %mul3A_131 : f32 to vector<15x4096xf32>
    %mul3A_133 = arith.mulf %mul3A_132, %mul3A_120 : vector<15x4096xf32>
    %add3A_134 = arith.addf %add3A_117, %mul3A_133 : vector<15x4096xf32>
    %sub3A_135 = arith.constant 1.000000e+00 : f32
    %sub3A_136 = vector.broadcast %sub3A_135 : f32 to vector<15x4096xf32>
    %sub3A_137 = arith.subf %add3A_134, %sub3A_136 : vector<15x4096xf32>
    %mul3A_138 = arith.constant 5.000000e-01 : f32
    %mul3A_139 = vector.broadcast %mul3A_138 : f32 to vector<15x4096xf32>
    %mul3A_140 = arith.mulf %mul3A_139, %mul3A_122 : vector<15x4096xf32>
    %add3A_141 = arith.addf %add3A_119, %mul3A_140 : vector<15x4096xf32>
    %sub3A_142 = arith.constant 1.000000e+00 : f32
    %sub3A_143 = vector.broadcast %sub3A_142 : f32 to vector<15x4096xf32>
    %sub3A_144 = arith.subf %add3A_141, %sub3A_143 : vector<15x4096xf32>
    %get3A_145 = arith.constant 0 : index
    %get3A_146 = arith.constant 0 : index
    %get3A_147 = vector.load %arg3[%get3A_145, %get3A_146] : memref<1x3xf32, #tpu.memory_space<vmem>>, vector<1x1xf32>
    %get3A_148 = vector.extract %get3A_147[0, 0] : f32 from vector<1x1xf32>
    %get3A_149 = arith.constant 0 : index
    %get3A_150 = arith.constant 1 : index
    %get3A_151 = vector.load %arg3[%get3A_149, %get3A_150] : memref<1x3xf32, #tpu.memory_space<vmem>>, vector<1x1xf32>
    %get3A_152 = vector.extract %get3A_151[0, 0] : f32 from vector<1x1xf32>
    %get3A_153 = arith.constant 0 : index
    %get3A_154 = arith.constant 2 : index
    %get3A_155 = vector.load %arg3[%get3A_153, %get3A_154] : memref<1x3xf32, #tpu.memory_space<vmem>>, vector<1x1xf32>
    %get3A_156 = vector.extract %get3A_155[0, 0] : f32 from vector<1x1xf32>
    %sub3A_157 = arith.constant 1.000000e+00 : f32
    %sub3A_158 = arith.subf %get3A_152, %sub3A_157 : f32
    %jit3A_159 = arith.constant 0.000000e+00 : f32
    %max3A = vector.broadcast %jit3A_159 : f32 to vector<15x4096xf32>
    %max3A_160 = arith.maximumf %max3A, %sub3A_126 : vector<15x4096xf32>
    %min3A_161 = vector.broadcast %sub3A_158 : f32 to vector<15x4096xf32>
    %min3A_162 = arith.minimumf %min3A_161, %max3A_160 : vector<15x4096xf32>
    %sub3A_163 = arith.constant 1.000000e+00 : f32
    %sub3A_164 = arith.subf %get3A_148, %sub3A_163 : f32
    %jit3A_165 = arith.constant 0.000000e+00 : f32
    %max3A_166 = vector.broadcast %jit3A_165 : f32 to vector<15x4096xf32>
    %max3A_167 = arith.maximumf %max3A_166, %sub3A_130 : vector<15x4096xf32>
    %min3A_168 = vector.broadcast %sub3A_164 : f32 to vector<15x4096xf32>
    %min3A_169 = arith.minimumf %min3A_168, %max3A_167 : vector<15x4096xf32>
    %sub3A_170 = arith.constant 1.000000e+00 : f32
    %sub3A_171 = arith.subf %get3A_152, %sub3A_170 : f32
    %jit3A_172 = arith.constant 0.000000e+00 : f32
    %max3A_173 = vector.broadcast %jit3A_172 : f32 to vector<15x4096xf32>
    %max3A_174 = arith.maximumf %max3A_173, %sub3A_137 : vector<15x4096xf32>
    %min3A_175 = vector.broadcast %sub3A_171 : f32 to vector<15x4096xf32>
    %min3A_176 = arith.minimumf %min3A_175, %max3A_174 : vector<15x4096xf32>
    %sub3A_177 = arith.constant 1.000000e+00 : f32
    %sub3A_178 = arith.subf %get3A_148, %sub3A_177 : f32
    %jit3A_179 = arith.constant 0.000000e+00 : f32
    %max3A_180 = vector.broadcast %jit3A_179 : f32 to vector<15x4096xf32>
    %max3A_181 = arith.maximumf %max3A_180, %sub3A_144 : vector<15x4096xf32>
    %min3A_182 = vector.broadcast %sub3A_178 : f32 to vector<15x4096xf32>
    %min3A_183 = arith.minimumf %min3A_182, %max3A_181 : vector<15x4096xf32>
    %swap3A = arith.constant 0 : index
    %swap3A_184 = arith.constant 0 : index
    %swap3A_185 = arith.constant 0 : index
    %swap3A_186 = vector.load %arg5[%swap3A, %swap3A_184, %swap3A_185] : memref<4x15x4096xf32, #tpu.memory_space<vmem>>, vector<1x15x4096xf32>
    %swap3A_187 = vector.shape_cast %swap3A_186 : vector<1x15x4096xf32> to vector<15x4096xf32>
    %swap3A_188 = vector.shape_cast %min3A_162 : vector<15x4096xf32> to vector<1x15x4096xf32>
    tpu.vector_store %arg5[%swap3A, %swap3A_184, %swap3A_185], %swap3A_188 {strides = array<i32>} : memref<4x15x4096xf32, #tpu.memory_space<vmem>>, vector<1x15x4096xf32>,
    %swap3A_189 = arith.constant 1 : index
    %swap3A_190 = arith.constant 0 : index
    %swap3A_191 = arith.constant 0 : index
    %swap3A_192 = vector.load %arg5[%swap3A_189, %swap3A_190, %swap3A_191] : memref<4x15x4096xf32, #tpu.memory_space<vmem>>, vector<1x15x4096xf32>
    %swap3A_193 = vector.shape_cast %swap3A_192 : vector<1x15x4096xf32> to vector<15x4096xf32>
    %swap3A_194 = vector.shape_cast %min3A_169 : vector<15x4096xf32> to vector<1x15x4096xf32>
    tpu.vector_store %arg5[%swap3A_189, %swap3A_190, %swap3A_191], %swap3A_194 {strides = array<i32>} : memref<4x15x4096xf32, #tpu.memory_space<vmem>>, vector<1x15x4096xf32>,
    %swap3A_195 = arith.constant 2 : index
    %swap3A_196 = arith.constant 0 : index
    %swap3A_197 = arith.constant 0 : index
    %swap3A_198 = vector.load %arg5[%swap3A_195, %swap3A_196, %swap3A_197] : memref<4x15x4096xf32, #tpu.memory_space<vmem>>, vector<1x15x4096xf32>
    %swap3A_199 = vector.shape_cast %swap3A_198 : vector<1x15x4096xf32> to vector<15x4096xf32>
    %swap3A_200 = vector.shape_cast %min3A_176 : vector<15x4096xf32> to vector<1x15x4096xf32>
    tpu.vector_store %arg5[%swap3A_195, %swap3A_196, %swap3A_197], %swap3A_200 {strides = array<i32>} : memref<4x15x4096xf32, #tpu.memory_space<vmem>>, vector<1x15x4096xf32>,
    %swap3A_201 = arith.constant 3 : index
    %swap3A_202 = arith.constant 0 : index
    %swap3A_203 = arith.constant 0 : index
    %swap3A_204 = vector.load %arg5[%swap3A_201, %swap3A_202, %swap3A_203] : memref<4x15x4096xf32, #tpu.memory_space<vmem>>, vector<1x15x4096xf32>
    %swap3A_205 = vector.shape_cast %swap3A_204 : vector<1x15x4096xf32> to vector<15x4096xf32>
    %swap3A_206 = vector.shape_cast %min3A_183 : vector<15x4096xf32> to vector<1x15x4096xf32>
    tpu.vector_store %arg5[%swap3A_201, %swap3A_202, %swap3A_203], %swap3A_206 {strides = array<i32>} : memref<4x15x4096xf32, #tpu.memory_space<vmem>>, vector<1x15x4096xf32>,
    %sub3A_207 = arith.subf %min3A_176, %min3A_162 : vector<15x4096xf32>
    %add3A_208 = arith.constant 1.000000e+00 : f32
    %add3A_209 = vector.broadcast %add3A_208 : f32 to vector<15x4096xf32>
    %add3A_210 = arith.addf %sub3A_207, %add3A_209 : vector<15x4096xf32>
    %sub3A_211 = arith.subf %min3A_183, %min3A_169 : vector<15x4096xf32>
    %add3A_212 = arith.constant 1.000000e+00 : f32
    %add3A_213 = vector.broadcast %add3A_212 : f32 to vector<15x4096xf32>
    %add3A_214 = arith.addf %sub3A_211, %add3A_213 : vector<15x4096xf32>
    %mul3A_215 = arith.constant 1.600000e+01 : f32
    %mul3A_216 = arith.mulf %mul3A_215, %get3A_156 : f32
    %ge3A = vector.broadcast %mul3A_216 : f32 to vector<15x4096xf32>
    %ge3A_217 = arith.cmpf oge, %add3A_210, %ge3A : vector<15x4096xf32>
    %ge3A_218 = vector.broadcast %mul3A_216 : f32 to vector<15x4096xf32>
    %ge3A_219 = arith.cmpf oge, %add3A_214, %ge3A_218 : vector<15x4096xf32>
    %and3A_220 = arith.andi %ge3A_217, %ge3A_219 : vector<15x4096xi1>
    %jit3A_221 = arith.constant -1.000000e+08 : f32
    %broadcast_in_dim3A = vector.broadcast %jit3A_221 : f32 to vector<15x4096xf32>
    %select_n3A_222 = arith.select %and3A_220, %logistic3A_26, %broadcast_in_dim3A : vector<15x4096xi1>, vector<15x4096xf32>
    %swap3A_223 = arith.constant 0 : index
    %swap3A_224 = arith.constant 0 : index
    %swap3A_225 = vector.load %arg4[%swap3A_223, %swap3A_224] : memref<15x4096xf32, #tpu.memory_space<vmem>>, vector<15x4096xf32>
    tpu.vector_store %arg4[%swap3A_223, %swap3A_224], %select_n3A_222 {strides = array<i32>} : memref<15x4096xf32, #tpu.memory_space<vmem>>, vector<15x4096xf32>,
    return
  }
}

module attributes {stable_mosaic.version = 14 : i64} {
  func.func @_nms_kernel(%arg0: memref<10x512xf32, #tpu.memory_space<vmem>>, %arg1: memref<10x512xf32, #tpu.memory_space<vmem>>, %arg2: memref<10x512xf32, #tpu.memory_space<vmem>>, %arg3: memref<10x512xf32, #tpu.memory_space<vmem>>, %arg4: memref<10x512xf32, #tpu.memory_space<vmem>>) attributes {dimension_semantics = [], scalar_prefetch = 0 : i64, scratch_operands = 0 : i64, tpu.core_type = #tpu.core_type<tc>} {
    %iota3A = tpu.iota {dimensions = array<i32: 1>} : vector<512x512xi32>
    %iota3A_0 = tpu.iota {dimensions = array<i32: 0>} : vector<512x512xi32>
    %gt3A = arith.cmpi sgt, %iota3A, %iota3A_0 : vector<512x512xi32>
    %eq3A = arith.cmpi eq, %iota3A, %iota3A_0 : vector<512x512xi32>
    %jit3A = arith.constant 1.000000e+00 : f32
    %jit3A_1 = arith.constant 0.000000e+00 : f32
    %broadcast_in_dim3A = vector.broadcast %jit3A : f32 to vector<512x512xf32>
    %broadcast_in_dim3A_2 = vector.broadcast %jit3A_1 : f32 to vector<512x512xf32>
    %select_n3A = arith.select %eq3A, %broadcast_in_dim3A, %broadcast_in_dim3A_2 : vector<512x512xi1>, vector<512x512xf32>
    %broadcast_in_dim3A_3 = arith.constant 1.000000e+00 : f32
    %broadcast_in_dim3A_4 = vector.broadcast %broadcast_in_dim3A_3 : f32 to vector<10x512xf32>
    %swap3A = arith.constant 0 : index
    %swap3A_5 = arith.constant 0 : index
    %swap3A_6 = vector.load %arg4[%swap3A, %swap3A_5] : memref<10x512xf32, #tpu.memory_space<vmem>>, vector<10x512xf32>
    tpu.vector_store %arg4[%swap3A, %swap3A_5], %broadcast_in_dim3A_4 {strides = array<i32>} : memref<10x512xf32, #tpu.memory_space<vmem>>, vector<10x512xf32>,
    %scan3A = arith.constant 0 : i32
    %scan3A_7 = arith.constant 0 : i32
    %scan3A_8 = arith.constant 10 : i32
    %scan3A_9 = arith.addi %scan3A_7, %scan3A_8 : i32
    %scan3A_10 = arith.constant 1 : i32
    scf.for %scan3A_12 = %scan3A_7 to %scan3A_9 step %scan3A_10  : i32 {
      %get3A = arith.index_cast %scan3A_12 : i32 to index
      %get3A_13 = arith.constant 0 : index
      %get3A_14 = vector.load %arg0[%get3A, %get3A_13] : memref<10x512xf32, #tpu.memory_space<vmem>>, vector<1x512xf32>
      %get3A_15 = arith.index_cast %scan3A_12 : i32 to index
      %get3A_16 = arith.constant 0 : index
      %get3A_17 = vector.load %arg1[%get3A_15, %get3A_16] : memref<10x512xf32, #tpu.memory_space<vmem>>, vector<1x512xf32>
      %get3A_18 = arith.index_cast %scan3A_12 : i32 to index
      %get3A_19 = arith.constant 0 : index
      %get3A_20 = vector.load %arg2[%get3A_18, %get3A_19] : memref<10x512xf32, #tpu.memory_space<vmem>>, vector<1x512xf32>
      %get3A_21 = arith.index_cast %scan3A_12 : i32 to index
      %get3A_22 = arith.constant 0 : index
      %get3A_23 = vector.load %arg3[%get3A_21, %get3A_22] : memref<10x512xf32, #tpu.memory_space<vmem>>, vector<1x512xf32>
      %sub3A = arith.subf %get3A_20, %get3A_14 : vector<1x512xf32>
      %add3A = arith.constant 1.000000e+00 : f32
      %add3A_24 = vector.broadcast %add3A : f32 to vector<1x512xf32>
      %add3A_25 = arith.addf %sub3A, %add3A_24 : vector<1x512xf32>
      %sub3A_26 = arith.subf %get3A_23, %get3A_17 : vector<1x512xf32>
      %add3A_27 = arith.constant 1.000000e+00 : f32
      %add3A_28 = vector.broadcast %add3A_27 : f32 to vector<1x512xf32>
      %add3A_29 = arith.addf %sub3A_26, %add3A_28 : vector<1x512xf32>
      %mul3A = arith.mulf %add3A_25, %add3A_29 : vector<1x512xf32>
      %mul3A_30 = vector.broadcast %get3A_14 : vector<1x512xf32> to vector<512x512xf32>
      %mul3A_31 = arith.mulf %select_n3A, %mul3A_30 : vector<512x512xf32>
      %reduce_sum3A = arith.constant dense<0.000000e+00> : vector<512xf32>
      %reduce_sum3A_32 = vector.multi_reduction <add>, %mul3A_31, %reduce_sum3A [1] : vector<512x512xf32> to vector<512xf32>
      %broadcast_in_dim3A_33 = vector.shape_cast %reduce_sum3A_32 : vector<512xf32> to vector<512x1xf32>
      %mul3A_34 = vector.broadcast %get3A_17 : vector<1x512xf32> to vector<512x512xf32>
      %mul3A_35 = arith.mulf %select_n3A, %mul3A_34 : vector<512x512xf32>
      %reduce_sum3A_36 = arith.constant dense<0.000000e+00> : vector<512xf32>
      %reduce_sum3A_37 = vector.multi_reduction <add>, %mul3A_35, %reduce_sum3A_36 [1] : vector<512x512xf32> to vector<512xf32>
      %broadcast_in_dim3A_38 = vector.shape_cast %reduce_sum3A_37 : vector<512xf32> to vector<512x1xf32>
      %mul3A_39 = vector.broadcast %get3A_20 : vector<1x512xf32> to vector<512x512xf32>
      %mul3A_40 = arith.mulf %select_n3A, %mul3A_39 : vector<512x512xf32>
      %reduce_sum3A_41 = arith.constant dense<0.000000e+00> : vector<512xf32>
      %reduce_sum3A_42 = vector.multi_reduction <add>, %mul3A_40, %reduce_sum3A_41 [1] : vector<512x512xf32> to vector<512xf32>
      %broadcast_in_dim3A_43 = vector.shape_cast %reduce_sum3A_42 : vector<512xf32> to vector<512x1xf32>
      %mul3A_44 = vector.broadcast %get3A_23 : vector<1x512xf32> to vector<512x512xf32>
      %mul3A_45 = arith.mulf %select_n3A, %mul3A_44 : vector<512x512xf32>
      %reduce_sum3A_46 = arith.constant dense<0.000000e+00> : vector<512xf32>
      %reduce_sum3A_47 = vector.multi_reduction <add>, %mul3A_45, %reduce_sum3A_46 [1] : vector<512x512xf32> to vector<512xf32>
      %broadcast_in_dim3A_48 = vector.shape_cast %reduce_sum3A_47 : vector<512xf32> to vector<512x1xf32>
      %mul3A_49 = vector.broadcast %mul3A : vector<1x512xf32> to vector<512x512xf32>
      %mul3A_50 = arith.mulf %select_n3A, %mul3A_49 : vector<512x512xf32>
      %reduce_sum3A_51 = arith.constant dense<0.000000e+00> : vector<512xf32>
      %reduce_sum3A_52 = vector.multi_reduction <add>, %mul3A_50, %reduce_sum3A_51 [1] : vector<512x512xf32> to vector<512xf32>
      %broadcast_in_dim3A_53 = vector.shape_cast %reduce_sum3A_52 : vector<512xf32> to vector<512x1xf32>
      %max3A = vector.broadcast %broadcast_in_dim3A_33 : vector<512x1xf32> to vector<512x512xf32>
      %max3A_54 = vector.broadcast %get3A_14 : vector<1x512xf32> to vector<512x512xf32>
      %max3A_55 = arith.maximumf %max3A, %max3A_54 : vector<512x512xf32>
      %max3A_56 = vector.broadcast %broadcast_in_dim3A_38 : vector<512x1xf32> to vector<512x512xf32>
      %max3A_57 = vector.broadcast %get3A_17 : vector<1x512xf32> to vector<512x512xf32>
      %max3A_58 = arith.maximumf %max3A_56, %max3A_57 : vector<512x512xf32>
      %min3A = vector.broadcast %broadcast_in_dim3A_43 : vector<512x1xf32> to vector<512x512xf32>
      %min3A_59 = vector.broadcast %get3A_20 : vector<1x512xf32> to vector<512x512xf32>
      %min3A_60 = arith.minimumf %min3A, %min3A_59 : vector<512x512xf32>
      %min3A_61 = vector.broadcast %broadcast_in_dim3A_48 : vector<512x1xf32> to vector<512x512xf32>
      %min3A_62 = vector.broadcast %get3A_23 : vector<1x512xf32> to vector<512x512xf32>
      %min3A_63 = arith.minimumf %min3A_61, %min3A_62 : vector<512x512xf32>
      %sub3A_64 = arith.subf %min3A_60, %max3A_55 : vector<512x512xf32>
      %add3A_65 = arith.constant 1.000000e+00 : f32
      %add3A_66 = vector.broadcast %add3A_65 : f32 to vector<512x512xf32>
      %add3A_67 = arith.addf %sub3A_64, %add3A_66 : vector<512x512xf32>
      %max3A_68 = arith.constant 0.000000e+00 : f32
      %max3A_69 = vector.broadcast %max3A_68 : f32 to vector<512x512xf32>
      %max3A_70 = arith.maximumf %max3A_69, %add3A_67 : vector<512x512xf32>
      %sub3A_71 = arith.subf %min3A_63, %max3A_58 : vector<512x512xf32>
      %add3A_72 = arith.constant 1.000000e+00 : f32
      %add3A_73 = vector.broadcast %add3A_72 : f32 to vector<512x512xf32>
      %add3A_74 = arith.addf %sub3A_71, %add3A_73 : vector<512x512xf32>
      %max3A_75 = arith.constant 0.000000e+00 : f32
      %max3A_76 = vector.broadcast %max3A_75 : f32 to vector<512x512xf32>
      %max3A_77 = arith.maximumf %max3A_76, %add3A_74 : vector<512x512xf32>
      %mul3A_78 = arith.mulf %max3A_70, %max3A_77 : vector<512x512xf32>
      %add3A_79 = vector.broadcast %broadcast_in_dim3A_53 : vector<512x1xf32> to vector<512x512xf32>
      %add3A_80 = vector.broadcast %mul3A : vector<1x512xf32> to vector<512x512xf32>
      %add3A_81 = arith.addf %add3A_79, %add3A_80 : vector<512x512xf32>
      %sub3A_82 = arith.subf %add3A_81, %mul3A_78 : vector<512x512xf32>
      %div3A = arith.divf %mul3A_78, %sub3A_82 : vector<512x512xf32>
      %gt3A_83 = arith.constant 0.699999988 : f32
      %gt3A_84 = vector.broadcast %gt3A_83 : f32 to vector<512x512xf32>
      %gt3A_85 = arith.cmpf ogt, %div3A, %gt3A_84 : vector<512x512xf32>
      %and3A = arith.andi %gt3A_85, %gt3A : vector<512x512xi1>
      %jit3A_86 = arith.constant 1.000000e+00 : f32
      %jit3A_87 = arith.constant 0.000000e+00 : f32
      %broadcast_in_dim3A_88 = vector.broadcast %jit3A_86 : f32 to vector<512x512xf32>
      %broadcast_in_dim3A_89 = vector.broadcast %jit3A_87 : f32 to vector<512x512xf32>
      %select_n3A_90 = arith.select %and3A, %broadcast_in_dim3A_88, %broadcast_in_dim3A_89 : vector<512x512xi1>, vector<512x512xf32>
      %get3A_91 = arith.index_cast %scan3A_12 : i32 to index
      %get3A_92 = arith.constant 0 : index
      %get3A_93 = vector.load %arg4[%get3A_91, %get3A_92] : memref<10x512xf32, #tpu.memory_space<vmem>>, vector<1x512xf32>
      %while3A = arith.constant true
      %while3A_94:2 = scf.while (%while3A_114 = %get3A_93, %while3A_115 = %while3A) : (vector<1x512xf32>, i1) -> (vector<1x512xf32>, i1) {
        scf.condition(%while3A_115) %while3A_114, %while3A_115 : vector<1x512xf32>, i1
      } do {
      ^bb0(%while3A_114: vector<1x512xf32>, %while3A_115: i1):
        %mul3A_116 = vector.broadcast %while3A_114 : vector<1x512xf32> to vector<512x512xf32>
        %mul3A_117 = arith.mulf %select_n3A, %mul3A_116 : vector<512x512xf32>
        %reduce_sum3A_118 = arith.constant dense<0.000000e+00> : vector<512xf32>
        %reduce_sum3A_119 = vector.multi_reduction <add>, %mul3A_117, %reduce_sum3A_118 [1] : vector<512x512xf32> to vector<512xf32>
        %broadcast_in_dim3A_120 = vector.shape_cast %reduce_sum3A_119 : vector<512xf32> to vector<512x1xf32>
        %mul3A_121 = vector.broadcast %broadcast_in_dim3A_120 : vector<512x1xf32> to vector<512x512xf32>
        %mul3A_122 = arith.mulf %select_n3A_90, %mul3A_121 : vector<512x512xf32>
        %reduce_max3A = arith.constant dense<0xFF800000> : vector<512xf32>
        %reduce_max3A_123 = vector.multi_reduction <maximumf>, %mul3A_122, %reduce_max3A [0] : vector<512x512xf32> to vector<512xf32>
        %broadcast_in_dim3A_124 = vector.shape_cast %reduce_max3A_123 : vector<512xf32> to vector<1x512xf32>
        %sub3A_125 = arith.constant 1.000000e+00 : f32
        %sub3A_126 = vector.broadcast %sub3A_125 : f32 to vector<1x512xf32>
        %sub3A_127 = arith.subf %sub3A_126, %broadcast_in_dim3A_124 : vector<1x512xf32>
        %mul3A_128 = arith.mulf %get3A_93, %sub3A_127 : vector<1x512xf32>
        %ne3A = arith.cmpf one, %mul3A_128, %while3A_114 : vector<1x512xf32>
        %reduce_or3A = arith.constant 1.000000e+00 : f32
        %reduce_or3A_129 = arith.constant 0.000000e+00 : f32
        %reduce_or3A_130 = vector.broadcast %reduce_or3A : f32 to vector<1x512xf32>
        %reduce_or3A_131 = vector.broadcast %reduce_or3A_129 : f32 to vector<1x512xf32>
        %reduce_or3A_132 = arith.select %ne3A, %reduce_or3A_130, %reduce_or3A_131 : vector<1x512xi1>, vector<1x512xf32>
        %reduce_or3A_133 = vector.shape_cast %reduce_or3A_132 : vector<1x512xf32> to vector<1x1x512xf32>
        %reduce_or3A_134 = arith.constant dense<0xFF800000> : vector<1xf32>
        %reduce_or3A_135 = vector.multi_reduction <maximumf>, %reduce_or3A_133, %reduce_or3A_134 [1, 2] : vector<1x1x512xf32> to vector<1xf32>
        %reduce_or3A_136 = vector.shape_cast %reduce_or3A_135 : vector<1xf32> to vector<1x1x1xf32>
        %reduce_or3A_137 = vector.extract %reduce_or3A_136[0, 0, 0] : f32 from vector<1x1x1xf32>
        %reduce_or3A_138 = arith.constant 0.000000e+00 : f32
        %reduce_or3A_139 = arith.cmpf ogt, %reduce_or3A_137, %reduce_or3A_138 : f32
        scf.yield %mul3A_128, %reduce_or3A_139 : vector<1x512xf32>, i1
      }
      %swap3A_95 = arith.index_cast %scan3A_12 : i32 to index
      %swap3A_96 = arith.constant 0 : index
      %swap3A_97 = vector.load %arg4[%swap3A_95, %swap3A_96] : memref<10x512xf32, #tpu.memory_space<vmem>>, vector<1x512xf32>
      tpu.vector_store %arg4[%swap3A_95, %swap3A_96], %while3A_94#0 {strides = array<i32>} : memref<10x512xf32, #tpu.memory_space<vmem>>, vector<1x512xf32>,
      %mul3A_98 = vector.broadcast %while3A_94#0 : vector<1x512xf32> to vector<512x512xf32>
      %mul3A_99 = arith.mulf %select_n3A, %mul3A_98 : vector<512x512xf32>
      %reduce_sum3A_100 = arith.constant dense<0.000000e+00> : vector<512xf32>
      %reduce_sum3A_101 = vector.multi_reduction <add>, %mul3A_99, %reduce_sum3A_100 [1] : vector<512x512xf32> to vector<512xf32>
      %broadcast_in_dim3A_102 = vector.shape_cast %reduce_sum3A_101 : vector<512xf32> to vector<512x1xf32>
      %add3A_103 = arith.constant 1 : i32
      %add3A_104 = arith.addi %scan3A_12, %add3A_103 : i32
      %while3A_105 = arith.constant 10 : i32
      %while3A_106 = arith.subi %while3A_105, %add3A_104 : i32
      %while3A_107 = arith.addi %add3A_104, %while3A_106 : i32
      %while3A_108 = arith.constant 1 : i32
      %while3A_109 = arith.divsi %while3A_106, %while3A_108 : i32
      %while3A_110 = arith.muli %while3A_109, %while3A_108 : i32
      %while3A_111 = arith.addi %add3A_104, %while3A_110 : i32
      %while3A_112 = arith.constant 1 : i32
      scf.for %while3A_114 = %add3A_104 to %while3A_111 step %while3A_112  : i32 {
        %get3A_115 = arith.index_cast %while3A_114 : i32 to index
        %get3A_116 = arith.constant 0 : index
        %get3A_117 = vector.load %arg0[%get3A_115, %get3A_116] : memref<10x512xf32, #tpu.memory_space<vmem>>, vector<1x512xf32>
        %get3A_118 = arith.index_cast %while3A_114 : i32 to index
        %get3A_119 = arith.constant 0 : index
        %get3A_120 = vector.load %arg1[%get3A_118, %get3A_119] : memref<10x512xf32, #tpu.memory_space<vmem>>, vector<1x512xf32>
        %get3A_121 = arith.index_cast %while3A_114 : i32 to index
        %get3A_122 = arith.constant 0 : index
        %get3A_123 = vector.load %arg2[%get3A_121, %get3A_122] : memref<10x512xf32, #tpu.memory_space<vmem>>, vector<1x512xf32>
        %get3A_124 = arith.index_cast %while3A_114 : i32 to index
        %get3A_125 = arith.constant 0 : index
        %get3A_126 = vector.load %arg3[%get3A_124, %get3A_125] : memref<10x512xf32, #tpu.memory_space<vmem>>, vector<1x512xf32>
        %sub3A_127 = arith.subf %get3A_123, %get3A_117 : vector<1x512xf32>
        %add3A_128 = arith.constant 1.000000e+00 : f32
        %add3A_129 = vector.broadcast %add3A_128 : f32 to vector<1x512xf32>
        %add3A_130 = arith.addf %sub3A_127, %add3A_129 : vector<1x512xf32>
        %sub3A_131 = arith.subf %get3A_126, %get3A_120 : vector<1x512xf32>
        %add3A_132 = arith.constant 1.000000e+00 : f32
        %add3A_133 = vector.broadcast %add3A_132 : f32 to vector<1x512xf32>
        %add3A_134 = arith.addf %sub3A_131, %add3A_133 : vector<1x512xf32>
        %mul3A_135 = arith.mulf %add3A_130, %add3A_134 : vector<1x512xf32>
        %max3A_136 = vector.broadcast %broadcast_in_dim3A_33 : vector<512x1xf32> to vector<512x512xf32>
        %max3A_137 = vector.broadcast %get3A_117 : vector<1x512xf32> to vector<512x512xf32>
        %max3A_138 = arith.maximumf %max3A_136, %max3A_137 : vector<512x512xf32>
        %max3A_139 = vector.broadcast %broadcast_in_dim3A_38 : vector<512x1xf32> to vector<512x512xf32>
        %max3A_140 = vector.broadcast %get3A_120 : vector<1x512xf32> to vector<512x512xf32>
        %max3A_141 = arith.maximumf %max3A_139, %max3A_140 : vector<512x512xf32>
        %min3A_142 = vector.broadcast %broadcast_in_dim3A_43 : vector<512x1xf32> to vector<512x512xf32>
        %min3A_143 = vector.broadcast %get3A_123 : vector<1x512xf32> to vector<512x512xf32>
        %min3A_144 = arith.minimumf %min3A_142, %min3A_143 : vector<512x512xf32>
        %min3A_145 = vector.broadcast %broadcast_in_dim3A_48 : vector<512x1xf32> to vector<512x512xf32>
        %min3A_146 = vector.broadcast %get3A_126 : vector<1x512xf32> to vector<512x512xf32>
        %min3A_147 = arith.minimumf %min3A_145, %min3A_146 : vector<512x512xf32>
        %sub3A_148 = arith.subf %min3A_144, %max3A_138 : vector<512x512xf32>
        %add3A_149 = arith.constant 1.000000e+00 : f32
        %add3A_150 = vector.broadcast %add3A_149 : f32 to vector<512x512xf32>
        %add3A_151 = arith.addf %sub3A_148, %add3A_150 : vector<512x512xf32>
        %max3A_152 = arith.constant 0.000000e+00 : f32
        %max3A_153 = vector.broadcast %max3A_152 : f32 to vector<512x512xf32>
        %max3A_154 = arith.maximumf %max3A_153, %add3A_151 : vector<512x512xf32>
        %sub3A_155 = arith.subf %min3A_147, %max3A_141 : vector<512x512xf32>
        %add3A_156 = arith.constant 1.000000e+00 : f32
        %add3A_157 = vector.broadcast %add3A_156 : f32 to vector<512x512xf32>
        %add3A_158 = arith.addf %sub3A_155, %add3A_157 : vector<512x512xf32>
        %max3A_159 = arith.constant 0.000000e+00 : f32
        %max3A_160 = vector.broadcast %max3A_159 : f32 to vector<512x512xf32>
        %max3A_161 = arith.maximumf %max3A_160, %add3A_158 : vector<512x512xf32>
        %mul3A_162 = arith.mulf %max3A_154, %max3A_161 : vector<512x512xf32>
        %add3A_163 = vector.broadcast %broadcast_in_dim3A_53 : vector<512x1xf32> to vector<512x512xf32>
        %add3A_164 = vector.broadcast %mul3A_135 : vector<1x512xf32> to vector<512x512xf32>
        %add3A_165 = arith.addf %add3A_163, %add3A_164 : vector<512x512xf32>
        %sub3A_166 = arith.subf %add3A_165, %mul3A_162 : vector<512x512xf32>
        %div3A_167 = arith.divf %mul3A_162, %sub3A_166 : vector<512x512xf32>
        %gt3A_168 = arith.constant 0.699999988 : f32
        %gt3A_169 = vector.broadcast %gt3A_168 : f32 to vector<512x512xf32>
        %gt3A_170 = arith.cmpf ogt, %div3A_167, %gt3A_169 : vector<512x512xf32>
        %jit3A_171 = arith.constant 0.000000e+00 : f32
        %broadcast_in_dim3A_172 = vector.shape_cast %broadcast_in_dim3A_102 : vector<512x1xf32> to vector<512x1xf32>
        %broadcast_in_dim3A_173 = vector.broadcast %broadcast_in_dim3A_172 : vector<512x1xf32> to vector<512x512xf32>
        %broadcast_in_dim3A_174 = vector.broadcast %jit3A_171 : f32 to vector<512x512xf32>
        %select_n3A_175 = arith.select %gt3A_170, %broadcast_in_dim3A_173, %broadcast_in_dim3A_174 : vector<512x512xi1>, vector<512x512xf32>
        %reduce_max3A = arith.constant dense<0xFF800000> : vector<512xf32>
        %reduce_max3A_176 = vector.multi_reduction <maximumf>, %select_n3A_175, %reduce_max3A [0] : vector<512x512xf32> to vector<512xf32>
        %broadcast_in_dim3A_177 = vector.shape_cast %reduce_max3A_176 : vector<512xf32> to vector<1x512xf32>
        %get3A_178 = arith.index_cast %while3A_114 : i32 to index
        %get3A_179 = arith.constant 0 : index
        %get3A_180 = vector.load %arg4[%get3A_178, %get3A_179] : memref<10x512xf32, #tpu.memory_space<vmem>>, vector<1x512xf32>
        %sub3A_181 = arith.constant 1.000000e+00 : f32
        %sub3A_182 = vector.broadcast %sub3A_181 : f32 to vector<1x512xf32>
        %sub3A_183 = arith.subf %sub3A_182, %broadcast_in_dim3A_177 : vector<1x512xf32>
        %mul3A_184 = arith.mulf %get3A_180, %sub3A_183 : vector<1x512xf32>
        %swap3A_185 = arith.index_cast %while3A_114 : i32 to index
        %swap3A_186 = arith.constant 0 : index
        %swap3A_187 = vector.load %arg4[%swap3A_185, %swap3A_186] : memref<10x512xf32, #tpu.memory_space<vmem>>, vector<1x512xf32>
        tpu.vector_store %arg4[%swap3A_185, %swap3A_186], %mul3A_184 {strides = array<i32>} : memref<10x512xf32, #tpu.memory_space<vmem>>, vector<1x512xf32>,
      }
      %while3A_113 = arith.constant 1 : i32
      scf.for %while3A_114 = %while3A_111 to %while3A_107 step %while3A_113  : i32 {
        %get3A_115 = arith.index_cast %while3A_114 : i32 to index
        %get3A_116 = arith.constant 0 : index
        %get3A_117 = vector.load %arg0[%get3A_115, %get3A_116] : memref<10x512xf32, #tpu.memory_space<vmem>>, vector<1x512xf32>
        %get3A_118 = arith.index_cast %while3A_114 : i32 to index
        %get3A_119 = arith.constant 0 : index
        %get3A_120 = vector.load %arg1[%get3A_118, %get3A_119] : memref<10x512xf32, #tpu.memory_space<vmem>>, vector<1x512xf32>
        %get3A_121 = arith.index_cast %while3A_114 : i32 to index
        %get3A_122 = arith.constant 0 : index
        %get3A_123 = vector.load %arg2[%get3A_121, %get3A_122] : memref<10x512xf32, #tpu.memory_space<vmem>>, vector<1x512xf32>
        %get3A_124 = arith.index_cast %while3A_114 : i32 to index
        %get3A_125 = arith.constant 0 : index
        %get3A_126 = vector.load %arg3[%get3A_124, %get3A_125] : memref<10x512xf32, #tpu.memory_space<vmem>>, vector<1x512xf32>
        %sub3A_127 = arith.subf %get3A_123, %get3A_117 : vector<1x512xf32>
        %add3A_128 = arith.constant 1.000000e+00 : f32
        %add3A_129 = vector.broadcast %add3A_128 : f32 to vector<1x512xf32>
        %add3A_130 = arith.addf %sub3A_127, %add3A_129 : vector<1x512xf32>
        %sub3A_131 = arith.subf %get3A_126, %get3A_120 : vector<1x512xf32>
        %add3A_132 = arith.constant 1.000000e+00 : f32
        %add3A_133 = vector.broadcast %add3A_132 : f32 to vector<1x512xf32>
        %add3A_134 = arith.addf %sub3A_131, %add3A_133 : vector<1x512xf32>
        %mul3A_135 = arith.mulf %add3A_130, %add3A_134 : vector<1x512xf32>
        %max3A_136 = vector.broadcast %broadcast_in_dim3A_33 : vector<512x1xf32> to vector<512x512xf32>
        %max3A_137 = vector.broadcast %get3A_117 : vector<1x512xf32> to vector<512x512xf32>
        %max3A_138 = arith.maximumf %max3A_136, %max3A_137 : vector<512x512xf32>
        %max3A_139 = vector.broadcast %broadcast_in_dim3A_38 : vector<512x1xf32> to vector<512x512xf32>
        %max3A_140 = vector.broadcast %get3A_120 : vector<1x512xf32> to vector<512x512xf32>
        %max3A_141 = arith.maximumf %max3A_139, %max3A_140 : vector<512x512xf32>
        %min3A_142 = vector.broadcast %broadcast_in_dim3A_43 : vector<512x1xf32> to vector<512x512xf32>
        %min3A_143 = vector.broadcast %get3A_123 : vector<1x512xf32> to vector<512x512xf32>
        %min3A_144 = arith.minimumf %min3A_142, %min3A_143 : vector<512x512xf32>
        %min3A_145 = vector.broadcast %broadcast_in_dim3A_48 : vector<512x1xf32> to vector<512x512xf32>
        %min3A_146 = vector.broadcast %get3A_126 : vector<1x512xf32> to vector<512x512xf32>
        %min3A_147 = arith.minimumf %min3A_145, %min3A_146 : vector<512x512xf32>
        %sub3A_148 = arith.subf %min3A_144, %max3A_138 : vector<512x512xf32>
        %add3A_149 = arith.constant 1.000000e+00 : f32
        %add3A_150 = vector.broadcast %add3A_149 : f32 to vector<512x512xf32>
        %add3A_151 = arith.addf %sub3A_148, %add3A_150 : vector<512x512xf32>
        %max3A_152 = arith.constant 0.000000e+00 : f32
        %max3A_153 = vector.broadcast %max3A_152 : f32 to vector<512x512xf32>
        %max3A_154 = arith.maximumf %max3A_153, %add3A_151 : vector<512x512xf32>
        %sub3A_155 = arith.subf %min3A_147, %max3A_141 : vector<512x512xf32>
        %add3A_156 = arith.constant 1.000000e+00 : f32
        %add3A_157 = vector.broadcast %add3A_156 : f32 to vector<512x512xf32>
        %add3A_158 = arith.addf %sub3A_155, %add3A_157 : vector<512x512xf32>
        %max3A_159 = arith.constant 0.000000e+00 : f32
        %max3A_160 = vector.broadcast %max3A_159 : f32 to vector<512x512xf32>
        %max3A_161 = arith.maximumf %max3A_160, %add3A_158 : vector<512x512xf32>
        %mul3A_162 = arith.mulf %max3A_154, %max3A_161 : vector<512x512xf32>
        %add3A_163 = vector.broadcast %broadcast_in_dim3A_53 : vector<512x1xf32> to vector<512x512xf32>
        %add3A_164 = vector.broadcast %mul3A_135 : vector<1x512xf32> to vector<512x512xf32>
        %add3A_165 = arith.addf %add3A_163, %add3A_164 : vector<512x512xf32>
        %sub3A_166 = arith.subf %add3A_165, %mul3A_162 : vector<512x512xf32>
        %div3A_167 = arith.divf %mul3A_162, %sub3A_166 : vector<512x512xf32>
        %gt3A_168 = arith.constant 0.699999988 : f32
        %gt3A_169 = vector.broadcast %gt3A_168 : f32 to vector<512x512xf32>
        %gt3A_170 = arith.cmpf ogt, %div3A_167, %gt3A_169 : vector<512x512xf32>
        %jit3A_171 = arith.constant 0.000000e+00 : f32
        %broadcast_in_dim3A_172 = vector.shape_cast %broadcast_in_dim3A_102 : vector<512x1xf32> to vector<512x1xf32>
        %broadcast_in_dim3A_173 = vector.broadcast %broadcast_in_dim3A_172 : vector<512x1xf32> to vector<512x512xf32>
        %broadcast_in_dim3A_174 = vector.broadcast %jit3A_171 : f32 to vector<512x512xf32>
        %select_n3A_175 = arith.select %gt3A_170, %broadcast_in_dim3A_173, %broadcast_in_dim3A_174 : vector<512x512xi1>, vector<512x512xf32>
        %reduce_max3A = arith.constant dense<0xFF800000> : vector<512xf32>
        %reduce_max3A_176 = vector.multi_reduction <maximumf>, %select_n3A_175, %reduce_max3A [0] : vector<512x512xf32> to vector<512xf32>
        %broadcast_in_dim3A_177 = vector.shape_cast %reduce_max3A_176 : vector<512xf32> to vector<1x512xf32>
        %get3A_178 = arith.index_cast %while3A_114 : i32 to index
        %get3A_179 = arith.constant 0 : index
        %get3A_180 = vector.load %arg4[%get3A_178, %get3A_179] : memref<10x512xf32, #tpu.memory_space<vmem>>, vector<1x512xf32>
        %sub3A_181 = arith.constant 1.000000e+00 : f32
        %sub3A_182 = vector.broadcast %sub3A_181 : f32 to vector<1x512xf32>
        %sub3A_183 = arith.subf %sub3A_182, %broadcast_in_dim3A_177 : vector<1x512xf32>
        %mul3A_184 = arith.mulf %get3A_180, %sub3A_183 : vector<1x512xf32>
        %swap3A_185 = arith.index_cast %while3A_114 : i32 to index
        %swap3A_186 = arith.constant 0 : index
        %swap3A_187 = vector.load %arg4[%swap3A_185, %swap3A_186] : memref<10x512xf32, #tpu.memory_space<vmem>>, vector<1x512xf32>
        tpu.vector_store %arg4[%swap3A_185, %swap3A_186], %mul3A_184 {strides = array<i32>} : memref<10x512xf32, #tpu.memory_space<vmem>>, vector<1x512xf32>,
      }
    }
    %scan3A_11 = arith.constant 10 : i32
    return
  }
}

</mosaic_0001>

<sc_bundles>
// kernel: gather_offload_async_start
scs
__scs_entry_jumppad:
0x0: {  	(pc) =	sbr.rel $0x88, $3  }
0x1: {  	(tag) =	ssettag $0x0;
	lr =	simm.s32 $0x1  }
0x2: {  	[smem:$0x3F99] =	sst lr;
	_ =	strace $0xD0000000  }
0x3: {  	_ = 	snop  }
0x4: {  	_ = 	snop  }
0x5: {  	_ = 	snop  }
0x6: {  	_ = 	snop  }
0x7: {  	_ = 	snop  }
__scs_overlays_trampoline_lowered:
0x8: {  	[smem:$0x3FA8] =	sst s0  }
0x9: {  	[smem:$0x3FA9] =	sst s1  }
0xa: {  	[smem:$0x3FAA] =	sst s2  }
0xb: {  	[smem:$0x3FAB] =	sst s3  }
0xc: {  	[smem:$0x3FAC] =	sst s4  }
0xd: {  	[smem:$0x3FAD] =	sst s5  }
0xe: {  	[smem:$0x3FAE] =	sst s6  }
0xf: {  	[smem:$0x3FAF] =	sst s7  }
0x10: {  	[smem:$0x3FB0] =	sst s8  }
0x11: {  	[smem:$0x3FB1] =	sst s9;
	s0 =	simm.s32 @!p0 $0x0  }
0x12: {  	s1 =	sld [smem:$0x3F97];
	s0 =	simm.s32 @p0 $0x1  }
0x13: {  	[smem:$0x3FB2] =	sst s0;
	s0 =	simm.s32 @!p1 $0x0  }
0x14: {  	s2 =	sld [smem:$0x3F96];
	s0 =	simm.s32 @p1 $0x1  }
0x15: {  	[smem:$0x3FB3] =	sst s0;
	s0 =	simm.s32 @!p2 $0x0  }
0x16: {  	s3 =	sld [smem:$0x3FDB];
	s0 =	simm.s32 @p2 $0x1  }
0x17: {  	s4 =	simm.s32 $0x1BF5;
	[smem:$0x3FB5] =	sst s0  }
0x18: {  	s0 =	sld [smem:$0x3F98];
	_ =	swait.ge [sflag:s4], $0x0  }
0x19: {  	s7 =	sld [smem:$0x3F99]  }
0x1a: {  	s8 =	sadd.s32 $0xFFFFE003, lr  }
0x1b: {  	s9 =	sadd.s32 $0xFFFFFEF7, lr;
	s5 =	simm.s32 $0xFFFFFFFF;
	p2 =	slt.u32 s8, $0xFFFFF086  }
0x1c: {  	p1 =	slt.u32 s9, $0xF7A;
	s5 =	simm.s32 @!p2 $0x0  }
0x1d: {  	s5 =	simm.s32 @p1 $0x1;
	p0 =	seq.s32 s7, s2  }
0x1e: {  	s7 =	smul.u32 @!p0 $0xF7A, s2;
	p2 =	seq.s32 @!p0 s5, $0x0  }
0x1f: {  	s9 =	smul.u32 $0xF7A, s1;
	s8 =	simm.s32 @!p0 $0x1BF5;
	p2 =	por !p2, p0  }
0x20: {  	[sflag:s8] =	ssyncset.s32 @!p0 $0xFFFFF086;
	s6 =	sadd.s32 @!p0 s3, s7;
	s7 =	simm.s32 @!p0 $0x108  }
0x21: {  	s3 =	sadd.s32 s3, s9;
	s6 =	sadd.s32 @!p0 $0x88, s6;
	s7 =	simm.s32 @p2 $0x1082  }
0x22: {  	[simem:s7], [sflag:s8] =	dma.local @!p0 [hbm:s6], $0xF7A  }
0x23: {  	s9 =	sor.u32 $0xD0000000, s2;
	s6 =	simm.s32 $0x108;
	_ =	swait.ge @!p0 [sflag:s8], $0x0  }
0x24: {  	s3 =	sadd.s32 $0x88, s3;
	s6 =	simm.s32 @!p1 $0x1082;
	[sflag:s4] =	ssyncset.s32 $0xFFFFF086  }
0x25: {  	[simem:s6], [sflag:s4] =	dma.local [hbm:s3], $0xF7A  }
0x26: {  	[smem:$0x3F99] =	sst s1;
	(tag) =	ssettag s2;
	_ =	strace s9  }
0x27: {  	s1 =	sld [smem:$0x3FA9]  }
0x28: {  	s2 =	sld [smem:$0x3FAA]  }
0x29: {  	s4 =	sld [smem:$0x3FAC]  }
0x2a: {  	p0 =	seq.s32 s5, $0x0;
	s5 =	sld [smem:$0x3FAD]  }
0x2b: {  	s6 =	sld [smem:$0x3FAE]  }
0x2c: {  	s7 =	sld [smem:$0x3FAF]  }
0x2d: {  	s3 =	simm.s32 $0x108;
	s8 =	sld [smem:$0x3FB0]  }
0x2e: {  	s3 =	simm.s32 @!p0 $0x1082;
	s9 =	sld [smem:$0x3FB1]  }
0x2f: {  	lr =	sadd.s32 s0, s3;
	s0 =	sld [smem:$0x3FA8]  }
0x30: {  	s3 =	sld [smem:$0x3FAB]  }
0x31: {  	[smem:$0x3FB4] =	sst s10  }
0x32: {  	s10 =	sld [smem:$0x3FB2];
	_ =	sdelay $0x3  }
0x33: {  	p0 =	seq.s32 s10, $0x1;
	s10 =	sld [smem:$0x3FB4];
	_ =	sdelay $0x3  }
0x34: {  	[smem:$0x3FB4] =	sst s10  }
0x35: {  	s10 =	sld [smem:$0x3FB3];
	_ =	sdelay $0x3  }
0x36: {  	p1 =	seq.s32 s10, $0x1;
	s10 =	sld [smem:$0x3FB4];
	_ =	sdelay $0x3  }
0x37: {  	[smem:$0x3FB4] =	sst s10  }
0x38: {  	s10 =	sld [smem:$0x3FB5]  }
0x39: {  	_ = 	snop;
	(pc) =	sbr.ind lr, $3  }
0x3a: {  	_ = 	snop  }
0x3b: {  	_ = 	snop  }
0x3c: {  	p2 =	seq.s32 s10, $0x1;
	s10 =	sld [smem:$0x3FB4]  }
0x3d: {  	_ =	shalt  }
0x3e: {  	_ =	shalt  }
0x3f: {  	_ =	shalt  }
0x40: {  	_ =	shalt  }
0x41: {  	_ =	shalt  }
0x42: {  	_ =	shalt  }
0x43: {  	_ =	shalt  }
0x44: {  	_ =	shalt  }
0x45: {  	_ =	shalt  }
0x46: {  	_ =	shalt  }
0x47: {  	_ =	shalt  }
0x48: {  	_ =	shalt  }
0x49: {  	_ =	shalt  }
0x4a: {  	_ =	shalt  }
0x4b: {  	_ =	shalt  }
0x4c: {  	_ =	shalt  }
0x4d: {  	_ =	shalt  }
0x4e: {  	_ =	shalt  }
0x4f: {  	_ =	shalt  }
0x50: {  	_ =	shalt  }
0x51: {  	_ =	shalt  }
0x52: {  	_ =	shalt  }
0x53: {  	_ =	shalt  }
0x54: {  	_ =	shalt  }
0x55: {  	_ =	shalt  }
0x56: {  	_ =	shalt  }
0x57: {  	_ =	shalt  }
0x58: {  	_ =	shalt  }
0x59: {  	_ =	shalt  }
0x5a: {  	_ =	shalt  }
0x5b: {  	_ =	shalt  }
0x5c: {  	_ =	shalt  }
0x5d: {  	_ =	shalt  }
0x5e: {  	_ =	shalt  }
0x5f: {  	_ =	shalt  }
0x60: {  	_ =	shalt  }
0x61: {  	_ =	shalt  }
0x62: {  	_ =	shalt  }
0x63: {  	_ =	shalt  }
0x64: {  	_ =	shalt  }
0x65: {  	_ =	shalt  }
0x66: {  	_ =	shalt  }
0x67: {  	_ =	shalt  }
0x68: {  	_ =	shalt  }
0x69: {  	_ =	shalt  }
0x6a: {  	_ =	shalt  }
0x6b: {  	_ =	shalt  }
0x6c: {  	_ =	shalt  }
0x6d: {  	_ =	shalt  }
0x6e: {  	_ =	shalt  }
0x6f: {  	_ =	shalt  }
0x70: {  	_ =	shalt  }
0x71: {  	_ =	shalt  }
0x72: {  	_ =	shalt  }
0x73: {  	_ =	shalt  }
0x74: {  	_ =	shalt  }
0x75: {  	_ =	shalt  }
0x76: {  	_ =	shalt  }
0x77: {  	_ =	shalt  }
0x78: {  	_ =	shalt  }
0x79: {  	_ =	shalt  }
0x7a: {  	_ =	shalt  }
0x7b: {  	_ =	shalt  }
0x7c: {  	_ =	shalt  }
0x7d: {  	_ =	shalt  }
0x7e: {  	_ =	shalt  }
0x7f: {  	_ =	shalt  }
0x80: {  	_ =	shalt  }
0x81: {  	_ =	shalt  }
0x82: {  	_ =	shalt  }
0x83: {  	_ =	shalt  }
0x84: {  	_ =	shalt  }
0x85: {  	_ =	shalt  }
0x86: {  	_ =	shalt  }
0x87: {  	_ =	shalt  }
.Lfunc_end0:
.L_simem_size_0:
called_computation_lowered:
.L_overlay_start_0:
0x88: {  	s0 =	sld [smem:$0x3FD9]  }
0x89: {  	s1 =	sld [smem:$0x3FFE];
	_ =	sdelay $0x3  }
0x8a: {  	s0 =	sadd.s32 s1, s0  }
0x8b: {  	[smem:$0x3FC0] =	sst s0  }
0x8c: {  	_ = 	snop  }
0x8d: {  	s0 =	sld [smem:$0x3FD0];
	_ =	sdelay $0x2  }
0x8e: {  	s13 =	simm.s32 $0xA;
	s2 =	simm.s32 $0x10  }
0x8f: {  	[smem:s2], [sflag:s13] =	dma.local [hbm:s0], $0x1  }
0x90: {  	_ =	swait.eq [sflag:s13], $0x1  }
0x91: {  	[sflag:s13] =	ssyncset.done $0x0  }
0x92: {  	[sflag:s13] =	ssyncadd.s32 $0xFFFFFFFF  }
0x93: {  	s14 =	sld [smem:$0x12];
	(tm) =	ssettm $0x1  }
0x94: {  	s15 =	sld [smem:$0x3FFB];
	_ =	sdelay $0x3  }
0x95: {  	_ =	strace s15  }
0x96: {  	s1 =	sld [smem:$0x3FFC];
	_ =	sdelay $0x3  }
0x97: {  	_ =	strace s1  }
0x98: {  	s1 =	sld [smem:$0x3FFD];
	_ =	sdelay $0x3  }
0x99: {  	_ =	strace s1  }
0x9a: {  	_ =	strace $0x8FFFFFFF  }
0x9b: {  	s16 =	sld [smem:$0x3FDB];
	_ =	sdelay $0x1  }
0x9c: {  	s17 =	simm.s32 $_scs_section_size  }
0x9d: {  	s3 =	simm.s32 $_size__tile_overlayer_lowered;
	s4 =	simm.s32 $_tile_overlayer_lowered  }
0x9e: {  	s20 =	simm.s32 $0x1BFF;
	s19 =	sshll.u32 s4, $0x1;
	s1 =	sadd.s32 s17, s16  }
0x9f: {  	s5 =	simm.s32 $0x0;
	s18 =	sshll.u32 s3, $0x1;
	s3 =	sadd.s32 s19, s1  }
0xa0: {  	[timem:s5], [sflag:s20] =	dma.local [hbm:s3], s18  }
0xa1: {  	_ =	swait.ge [sflag:s20], s18  }
0xa2: {  	s2 =	ssub.s32 $0x0, s18;
	[sflag:s20] =	ssyncset.done $0x0  }
0xa3: {  	[sflag:s20] =	ssyncadd.s32 s2;
	_ =	sdelay $0x1  }
0xa4: {  	s21 =	simm.s32 $0x1B8B  }
0xa5: {  	_ =	swait.ge [sflag:s21], $0x1  }
0xa6: {  	[sflag:s21] =	ssyncset.done $0x0  }
0xa7: {  	s23 =	simm.s32 $0x1B8E;
	s22 =	sld [smem:$0x3FFE];
	[sflag:s21] =	ssyncadd.s32 $0xFFFFFFFF  }
0xa8: {  	s24 =	simm.s32 $execute0_lowered;
	[smem:$0x3FD2] =	sst s23  }
0xa9: {  	s3 =	sshll.u32 s24, $0x1;
	_ =	strace $0x80000046;
	[dreg:$0x1] =	wrdreg $0xFFFFFFFF  }
0xaa: {  	s25 =	simm.s32 $_size_execute0_lowered;
	s1 =	sadd.s32 s1, s3;
	[dreg:$0x0] =	wrdreg $0x0  }
0xab: {  	s3 =	sshll.u32 s25, $0x1;
	[dreg:$0x2] =	wrdreg s1  }
0xac: {  	[dreg:$0x3] =	wrdreg s3  }
0xad: {  	[dreg:$0x4] =	wrdreg $0xC0  }
0xae: {  	_ =	task [dreg:s5], $0x5FFFF  }
0xaf: {  	[dreg:$0x1] =	wrdreg $0xFFFFFFFF  }
0xb0: {  	[dreg:$0x0] =	wrdreg $0x60  }
0xb1: {  	[dreg:$0x2] =	wrdreg s22  }
0xb2: {  	[dreg:$0x3] =	wrdreg s14  }
0xb3: {  	[dreg:$0x4] =	wrdreg $0x9  }
0xb4: {  	_ =	task.clear_ibuf [dreg:s5], $0x5FFFF;
	_ =	strace $0x90000046  }
0xb5: {  	s26 =	simm.s32 $0x9;
	_ =	strace $0x80000048  }
0xb6: {  	_ =	swait.ge [sflag:s26], $0x1  }
0xb7: {  	[sflag:s26] =	ssyncadd.s32 $0xFFFFFFFF  }
0xb8: {  	_ =	strace $0x90000048  }
0xb9: {  	_ =	sfence  }
0xba: {  	s28 =	sld [smem:$0x0];
	_ =	sdelay $0x1  }
0xbb: {  	s29 =	srdreg.scid  }
0xbc: {  	s30 =	sshll.u32 s29, $0xD;
	s31 =	sshrl.u32 s29, $0x2  }
0xbd: {  	s2 =	sand.u32 $0x4000, s30;
	s1 =	sand.u32 $0x1, s29;
	s0 =	sadd.s32 s31, s28  }
0xbe: {  	s1 =	sor.u32 s2, s1;
	s0 =	sshll.u32 s0, $0x11  }
0xbf: {  	s0 =	sor.u32 s0, s1  }
0xc0: {  	s0 =	sadd.s32 $0x8F2B, s0  }
0xc1: {  	[sflag:s0] =	ssyncadd.remote.s32 $0x1  }
0xc2: {  	_ =	sfence.sel $0xFFFF  }
0xc3: {  	[dreg:$0x0] =	wrdreg $0xFFFFFFFF;
	(pc) =	sbr.abs _section_cstart, $3  }
0xc4: {  	[dreg:$0x1] =	wrdreg $0xFFFFFFFF  }
0xc5: {  	_ =	task.clear_ibuf [dreg:s5], $0x2FFFF;
	_ =	strace $0x9FFFFFFF  }
0xc6: {  	(tm) =	ssettm $0x7FFFFFFF  }
0xc7: {  	_ =	shalt  }
tec
execute0_lowered:
.L_overlay_start_1:
0x0: {  	(tag) =	ssettag $0x1  }
0x1: {  	s0 =	stileid.u32  }
0x2: {  	s1 =	smin.u32 s0, $0x9  }
0x3: {  	s1 =	sadd.s32 s0, s1  }
0x4: {  	s2 =	simm.s32 $0x190;
	p0 =	slt.u32 s0, $0x9;
	s1 =	smul.u32 $0xC8, s1  }
0x5: {  	s2 =	simm.s32 @!p0 $0xC8  }
0x6: {  	s2 =	sadd.s32 s2, s1  }
0x7: {  	s3 =	smin.u32 s2, $0x1388  }
0x8: {  	s7 =	ssub.s32 s3, s1  }
0x9: {  	p0 =	sgt.s32 s7, $0x0  }
0xa: {  	s7 =	simm.s32 @!p0 $0x0  }
0xb: {  	s31 =	sand.u32 $0xFFF8, s7  }
0xc: {  	s2 =	sshrl.u32 s31, $0x3  }
0xd: {  	s4 =	rddreg [dreg:$0x0];
	s2 =	smul.u32 $0x147B, s2  }
0xe: {  	s5 =	rddreg [dreg:$0x1]  }
0xf: {  	s6 =	simm.s32 $0x1;
	s10 =	simm.s32 $0x3;
	s8 =	sshrl.u32 s2, $0x11  }
0x10: {  	s13 =	simm.s32 $0x0;
	s12 =	simm.s32 $0x0;
	s9 =	smul.u32 $0xC8, s8  }
.Ltmp0:
0x11: {  	s11 =	smov.u32 s1;
	s2 =	rddreg [dreg:$0x2];
	(pc) =	sbr.rel .LBB2_1-.Ltmp0, $4  }
0x12: {  	_ =	strace $0x80000047;
	p0 =	sne.s32 s7, s9;
	s9 =	simm.s32 $0x1  }
0x13: {  	[sflag:s6] =	ssyncpa.u1 $0x0;
	s7 =	simm.s32 $0x2;
	s9 =	simm.s32 @!p0 $0x0  }
0x14: {  	[sflag:s7] =	ssyncpa.u1 $0x0;
	p0 =	por $0x0, $0x0;
	s8 =	sadd.s32 s8, s9  }
0x15: {  	vm0 =	vmmov $0xff;
	vm1 =	vcmask $0x3F20;
	s9 =	sadd.s32 $0xF0000, s4;
	[sflag:s10] =	ssyncpa.u1 $0x0;
	s10 =	sadd.s32 $0x1, s8  }
.LBB2_6:
0x16: {  	[hbm:s17] =	stream.linear.scatter [tilespmem:s14], [sflag:$0x3], $0x400, $0x38;
	[tilespmem:$0xC990] =	vst v63  }
.LBB2_7:
0x17: {  	s13 =	sadd.s32 $0xC8, s11  }
0x18: {  	s15 =	smov.u32 s1;
	p2 =	slt.s32 s13, s3  }
0x19: {  	s15 =	smov.u32 @p2 s13;
	p2 =	sne.s32 s12, s10  }
.Ltmp1:
0x1a: {  	p1 =	slt.u32 s12, $0x2;
	(pc) =	sbr.rel @!p2 .LBB2_8-.Ltmp1, $4  }
0x1b: {  	s14 =	simm.s32 @!p1 $0x3  }
0x1c: {  	s16 =	sadd.s32 $0x1, s12;
	_ =	swait.ge @!p1 [sflag:s14], $0x6400  }
0x1d: {  	p0 =	por !p0, !p0;
	s13 =	smov.u32 s11;
	[sflag:s14] =	ssyncset.done @!p1 $0x0  }
0x1e: {  	s12 =	smov.u32 s16;
	s11 =	smov.u32 s15;
	[sflag:s14] =	ssyncadd.s32 @!p1 $0xFFFF9C00  }
.LBB2_1:
0x1f: {  	p1 =	sge.u32 s12, s8  }
0x20: {  	s14 =	sxor.u32 @!p1 $0xFFFFFFFF, s12  }
0x21: {  	s14 =	sand.u32 @!p1 $0x1, s14  }
0x22: {  	s14 =	smul.u32 @!p1 $0x320, s14  }
0x23: {  	s31 =	sadd.s32 $0xFFFFFFFF, s12;
	s15 =	sshrl.u32 @!p1 s11, $0x3  }
0x24: {  	s16 =	sand.u32 @!p1 $0x7, s11;
	s15 =	sadd.s32 @!p1 s5, s15;
	s14 =	sshrl.u32 @!p1 s14, $0x2  }
0x25: {  	[tilespmem:s14], [sflag:$0x2] =	stream.linear.gather @!p1 [hbm4b:s15+s16], $0xC8, $0x38;
	[tilespmem:$0xC990] =	vst v63  }
0x26: {  	p1 =	sge.u32 s31, s8  }
.Ltmp2:
0x27: {  	_ = 	snop;
	(pc) =	sbr.rel @p1 .LBB2_7-.Ltmp2, $1  }
0x28: {  	_ =	sdelay $0x3  }
0x29: {  	s14 =	simm.s32 $0x1  }
0x2a: {  	s14 =	simm.s32 @!p0 $0x0  }
0x2b: {  	s15 =	smul.u32 $0x320, s14  }
0x2c: {  	_ =	swait.ge [sflag:s7], $0xC8  }
0x2d: {  	[sflag:s7] =	ssyncset.done $0x0;
	s16 =	sshrl.u32 s15, $0x2  }
0x2e: {  	[sflag:s7] =	ssyncadd.s32 $0xFFFFFF38;
	s15 =	sadd.s32 $0x0, s16  }
0x2f: {  	v0 =	vld.msk [tilespmem:s15+$0x0 ss:$0x1], $0xffff;
	_ =	sdelay $0x4  }
0x30: {  	vm2 =	vgt.s32 v0, $0x0  }
0x31: {  	v0 =	vnsel vm2, $0x0, v0  }
0x32: {  	v0 =	vmin.u32 v0, $0xEFFF  }
0x33: {  	v0 =	vshll.u32 v0, $0x4  }
0x34: {  	s14 =	smul.u32 $0x19000, s14  }
0x35: {  	s31 =	sand.u32 $0x1, s12  }
0x36: {  	s17 =	smul.u32 $0x320, s31;
	s14 =	sshrl.u32 s14, $0x2  }
0x37: {  	s19 =	smul.u32 $0x19000, s31;
	s14 =	sor.u32 $0x190, s14  }
0x38: {  	[tilespmem:s14], [sflag:$0x1] =	stream.indirect_vreg.gather [hbm:s4], $0x80, v0, vm0, $0x38;
	[tilespmem:$0xC990] =	vst v63  }
0x39: {  	s18 =	sshrl.u32 s17, $0x2;
	s20 =	sadd.s32 $0x10, s16;
	s15 =	sadd.s32 $0x400, s14  }
0x3a: {  	[tilespmem:s15], [sflag:$0x1] =	stream.indirect_vreg.gather [hbm:s4], $0x80, v0, vm1, $0x38;
	[tilespmem:$0xC990] =	vst v63  }
0x3b: {  	s17 =	sshrl.u32 s19, $0x2;
	s19 =	smov.u32 s14;
	v0 =	vld.msk [tilespmem:s20+$0x0 ss:$0x1], $0xffff;
	s20 =	simm.s32 $0x80  }
.LBB2_3:
0x3c: {  	p1 =	sne.s32 s20, $0x2C0;
	_ =	sdelay $0x4  }
0x3d: {  	vm2 =	vgt.s32 v0, $0x0  }
0x3e: {  	v0 =	vnsel vm2, $0x0, v0  }
0x3f: {  	v0 =	vmin.u32 v0, $0xEFFF  }
0x40: {  	v0 =	vshll.u32 v0, $0x4;
	_ =	sdelay $0x3  }
.Ltmp3:
0x41: {  	s21 =	sshra.s32 s20, $0x2;
	s19 =	sadd.s32 $0x800, s19;
	(pc) =	sbr.rel @p1 .LBB2_3-.Ltmp3, $4  }
0x42: {  	[tilespmem:s19], [sflag:$0x1] =	stream.indirect_vreg.gather [hbm:s4], $0x80, v0, vm0, $0x38;
	[tilespmem:$0xC990] =	vst v63  }
0x43: {  	s21 =	sadd.s32 s21, s16;
	s22 =	sadd.s32 $0x400, s19  }
0x44: {  	[tilespmem:s22], [sflag:$0x1] =	stream.indirect_vreg.gather [hbm:s4], $0x80, v0, vm1, $0x38;
	[tilespmem:$0xC990] =	vst v63  }
0x45: {  	s20 =	sadd.s32 $0x40, s20;
	v0 =	vld.msk [tilespmem:s21+$0x0 ss:$0x1], $0xffff  }
0x46: {  	_ =	sdelay $0x3  }
0x47: {  	vm2 =	vgt.s32 v0, $0x0  }
0x48: {  	v0 =	vnsel vm2, $0x0, v0  }
0x49: {  	v0 =	vmin.u32 v0, $0xEFFF  }
0x4a: {  	v0 =	vshll.u32 v0, $0x4;
	_ =	sdelay $0x3  }
0x4b: {  	s16 =	sadd.s32 $0x800, s19  }
0x4c: {  	[tilespmem:s16], [sflag:$0x1] =	stream.indirect_vreg.gather [hbm:s4], $0x80, v0, vm0, $0x38;
	[tilespmem:$0xC990] =	vst v63  }
0x4d: {  	s16 =	sadd.s32 $0x400, s16  }
0x4e: {  	[tilespmem:s16], [sflag:$0x1] =	stream.indirect_vreg.gather [hbm:s4], $0x80, v0, vm1, $0x38;
	[tilespmem:$0xC990] =	vst v63  }
0x4f: {  	v0 =	vld.msk [tilespmem:s18+$0xC0 ss:$0x1], $0xff;
	_ =	sdelay $0x4  }
0x50: {  	vm2 =	vgt.s32 v0, $0x0  }
0x51: {  	v0 =	vnsel vm2, $0x0, v0  }
0x52: {  	v0 =	vmin.u32 v0, $0xEFFF  }
0x53: {  	v0 =	vshll.u32 v0, $0x4;
	_ =	sdelay $0x3  }
0x54: {  	s31 =	sadd.s32 $0x6190, s17  }
0x55: {  	[tilespmem:s31], [sflag:$0x1] =	stream.indirect_vreg.gather [hbm:s4], $0x80, v0, vm0, $0x38;
	[tilespmem:$0xC990] =	vst v63  }
0x56: {  	s13 =	sshll.u32 s13, $0x4;
	_ =	swait.ge [sflag:s6], $0x6400  }
0x57: {  	s13 =	sadd.s32 s13, s9;
	[sflag:s6] =	ssyncset.done $0x0  }
0x58: {  	s17 =	sadd.s32 $0x0, s13;
	s16 =	simm.s32 $0x80;
	[sflag:s6] =	ssyncadd.s32 $0xFFFF9C00  }
.LBB2_5:
0x59: {  	[hbm:s17] =	stream.linear.scatter [tilespmem:s14], [sflag:$0x3], $0x400, $0x38;
	[tilespmem:$0xC990] =	vst v63  }
0x5a: {  	s17 =	smov.u32 s16;
	s14 =	smov.u32 s15;
	p1 =	sne.s32 s16, $0xC00  }
.Ltmp4:
0x5b: {  	s16 =	sadd.s32 $0x80, s16;
	(pc) =	sbr.rel @p1 .LBB2_5-.Ltmp4, $2  }
0x5c: {  	_ =	sdelay $0x2  }
0x5d: {  	s15 =	sadd.s32 $0x400, s15;
	s17 =	sadd.s32 s17, s13  }
.Ltmp5:
0x5e: {  	_ = 	snop;
	(pc) =	sbr.rel .LBB2_6-.Ltmp5, $1  }
0x5f: {  	_ =	sdelay $0x3  }
.LBB2_8:
0x60: {  	_ =	sfence.sel $0x180000  }
0x61: {  	s1 =	simm.s32 $0x2;
	[bflag:$0x0] =	sbarrier.arrive $0xFFFF  }
0x62: {  	s30 =	simm.s32 $0x3;
	[sflag:s1] =	ssyncpa.u1 $0x1  }
0x63: {  	s31 =	simm.s32 $0x1;
	[sflag:s30] =	ssyncpa.u1 $0x1  }
0x64: {  	[sflag:s31] =	ssyncpa.u1 $0x1  }
0x65: {  	p0 =	sne.s32 s0, $0x0;
	_ =	strace $0x90000047  }
0x66: {  	s0 =	sadd.s32 @!p0 $0x100000, s2;
	[bflag:$0x2] =	sbarrier.arrive $0xFFFF  }
0x67: {  	[sflag:s0] =	ssyncadd.tile.s32 @!p0 $0x1;
	_ =	shalt  }
.Lfunc_end2:
_tile_overlayer_lowered:
.L_overlay_start_2:
0x68: {  	(tag) =	ssettag $0x2  }
0x69: {  	s0 =	rddreg [dreg:$0x0];
	s2 =	stileid.u32  }
0x6a: {  	s1 =	rddreg [dreg:$0x1];
	p0 =	sne.s32 s2, $0x0  }
0x6b: {  	s3 =	rddreg [dreg:$0x2];
	[bflag:$0x3] =	sbarrier.arrive $0xFFFF;
	s2 =	simm.s32 @!p0 $0x1C01  }
0x6c: {  	[timem:s3], [sflag:s2] =	dma.local @!p0 [hbm:s0], s1  }
0x6d: {  	s0 =	simm.s32 @!p0 $0x1  }
0x6e: {  	_ =	swait.ge @!p0 [sflag:s0], s1  }
0x6f: {  	s1 =	ssub.s32 @!p0 $0x0, s1;
	[sflag:s0] =	ssyncset.done @!p0 $0x0  }
0x70: {  	[sflag:s0] =	ssyncadd.s32 @!p0 s1  }
0x71: {  	[bflag:$0x3] =	sbarrier.arrive $0xFFFF  }
0x72: {  	_ =	shalt  }

</sc_bundles>
